<compile_context>
chip_gen: v7x
topology: tpu7x:2x2x1
jax: 0.10.2.dev20260603
libtpu: 0.0.44.dev20260713+nightly
codegen_flags: <defaults>
</compile_context>

<pallas_src>
import jax
import jax.numpy as jnp
from jax import lax
from jax.experimental import pallas as pl
from jax.experimental.pallas import tpu as pltpu
from jax.experimental.pallas import tpu_sc as plsc

N = 10000
NPAD = 10112
F = 128
E = 320000
NW = 32
GROUPS = 79
EPW = GROUPS * 128
EPAD = EPW * NW
RPT = NPAD // 16
NB = 1024
BPW = NB // NW

_mesh = plsc.VectorSubcoreMesh(core_axis_name="c", subcore_axis_name="s")
_f32 = jnp.float32



def _deg_body(dst_hbm, ones_hbm, zeros_hbm, out_hbm, idx_v, ones_v, acc_sh):
    c = lax.axis_index("c")
    s = lax.axis_index("s")
    wid = s * 2 + c
    pltpu.sync_copy(zeros_hbm.at[pl.ds(s * RPT, RPT)],
                    acc_sh.at[pl.ds(s * RPT, RPT)])
    pltpu.sync_copy(ones_hbm, ones_v)
    pltpu.sync_copy(dst_hbm.at[wid], idx_v)
    plsc.subcore_barrier()

    def body(g, carry):
        pltpu.sync_copy(ones_v, acc_sh.at[idx_v.at[g]], add=True)
        return carry

    lax.fori_loop(0, GROUPS, body, 0)
    plsc.subcore_barrier()
    pltpu.sync_copy(acc_sh.at[pl.ds(s * RPT, RPT)],
                    out_hbm.at[c].at[pl.ds(s * RPT, RPT)])


_deg_kernel = pl.kernel(
    _deg_body,
    out_type=jax.ShapeDtypeStruct((2, NPAD, F), _f32),
    mesh=_mesh,
    scratch_types=[
        pltpu.VMEM((GROUPS, 128), jnp.int32),
        pltpu.VMEM((128, F), _f32),
        pltpu.VMEM_SHARED((NPAD, F), _f32),
    ],
)


def _scatter_body(h_hbm, src_hbm, dst_hbm, zeros_hbm, out_hbm,
                  src_v, dst_v, rows_v, acc_sh, sem):
    c = lax.axis_index("c")
    s = lax.axis_index("s")
    wid = s * 2 + c
    pltpu.sync_copy(zeros_hbm.at[pl.ds(s * RPT, RPT)],
                    acc_sh.at[pl.ds(s * RPT, RPT)])
    pltpu.sync_copy(src_hbm.at[wid], src_v)
    pltpu.sync_copy(dst_hbm.at[wid], dst_v)
    plsc.subcore_barrier()

    def body(g, carry):
        pltpu.async_copy(h_hbm.at[src_v.at[g]], rows_v, sem).wait()
        pltpu.sync_copy(rows_v, acc_sh.at[dst_v.at[g]], add=True)
        return carry

    lax.fori_loop(0, GROUPS, body, 0)
    plsc.subcore_barrier()
    pltpu.sync_copy(acc_sh.at[pl.ds(s * RPT, RPT)],
                    out_hbm.at[pl.ds(s * RPT, RPT), pl.ds(c * F, F)])


_scatter_kernel = pl.kernel(
    _scatter_body,
    out_type=jax.ShapeDtypeStruct((NPAD, 2 * F), _f32),
    mesh=_mesh,
    scratch_types=[
        pltpu.VMEM((GROUPS, 128), jnp.int32),
        pltpu.VMEM((GROUPS, 128), jnp.int32),
        pltpu.VMEM((128, F), _f32),
        pltpu.VMEM_SHARED((NPAD, F), _f32),
        pltpu.SemaphoreType.DMA,
    ],
)


def _gather_body(p2_hbm, h2_hbm, dis_hbm, bn_hbm, gp_hbm, gh_hbm, gd_hbm,
                 idx_v, bp, bh, bd, sem):
    c = lax.axis_index("c")
    s = lax.axis_index("s")
    wid = s * 2 + c
    pltpu.sync_copy(bn_hbm.at[wid], idx_v)
    pltpu.async_copy(p2_hbm.at[idx_v.at[0]], bp, sem).wait()
    pltpu.async_copy(h2_hbm.at[idx_v.at[0]], bh, sem).wait()
    pltpu.async_copy(dis_hbm.at[idx_v.at[0]], bd, sem).wait()
    base = wid * BPW
    pltpu.sync_copy(bp, gp_hbm.at[pl.ds(base, BPW)])
    pltpu.sync_copy(bh, gh_hbm.at[pl.ds(base, BPW)])
    pltpu.sync_copy(bd, gd_hbm.at[pl.ds(base, BPW)])


_gather_kernel = pl.kernel(
    _gather_body,
    out_type=(
        jax.ShapeDtypeStruct((NB, 2 * F), _f32),
        jax.ShapeDtypeStruct((NB, F), _f32),
        jax.ShapeDtypeStruct((NB, F), _f32),
    ),
    mesh=_mesh,
    scratch_types=[
        pltpu.VMEM((1, BPW), jnp.int32),
        pltpu.VMEM((BPW, 2 * F), _f32),
        pltpu.VMEM((BPW, F), _f32),
        pltpu.VMEM((BPW, F), _f32),
        pltpu.SemaphoreType.DMA,
    ],
)



def _mm_body(x_ref, w_ref, o_ref):
    o_ref[...] = jnp.dot(x_ref[...], w_ref[...],
                         preferred_element_type=jnp.float32)


_mm = pl.pallas_call(
    _mm_body,
    out_shape=jax.ShapeDtypeStruct((N, F), _f32),
)


def _prep_body(degp_ref, h_ref, dis_ref, hp_ref):
    deg = degp_ref[0, :N, 0:1] + degp_ref[1, :N, 0:1] + 1.0
    dis = lax.rsqrt(deg)
    dis_ref[...] = jnp.broadcast_to(dis, (N, F))
    hp_ref[...] = h_ref[...] * dis


_prep = pl.pallas_call(
    _prep_body,
    out_shape=(
        jax.ShapeDtypeStruct((N, F), _f32),
        jax.ShapeDtypeStruct((N, F), _f32),
    ),
)


def _layer_body(p_ref, hp_ref, dis_ref, s1_ref, c1_ref, w_ref, o_ref):
    agg = p_ref[:N, :F] + p_ref[:N, F:] + hp_ref[...]
    d = dis_ref[:, 0:1]
    z = agg * d * s1_ref[...] + c1_ref[...]
    x1 = jnp.maximum(z, 0.0)
    h2 = jnp.dot(x1, w_ref[...], preferred_element_type=jnp.float32)
    o_ref[...] = h2 * d


_layer = pl.pallas_call(
    _layer_body,
    out_shape=jax.ShapeDtypeStruct((N, F), _f32),
)


def _final_body(gp_ref, gh_ref, gd_ref, s2_ref, c2_ref, o_ref):
    agg = gp_ref[:, :F] + gp_ref[:, F:] + gh_ref[...]
    z = agg * gd_ref[:, 0:1] * s2_ref[...] + c2_ref[...]
    x2 = jnp.maximum(z, 0.0)
    m = jnp.max(x2, axis=1, keepdims=True)
    e = jnp.exp(x2 - m)
    lse = jnp.log(jnp.sum(e, axis=1, keepdims=True))
    o_ref[...] = (x2 - m) - lse


_final = pl.pallas_call(
    _final_body,
    out_shape=jax.ShapeDtypeStruct((NB, F), _f32),
)


def kernel(features, edge_index, batch_nodes, device,
           W1, b1, gamma1, beta1, rm1, rv1,
           W2, b2, gamma2, beta2, rm2, rv2):
    del device
    pad = EPAD - E
    src_p = jnp.concatenate(
        [edge_index[0], jnp.zeros((pad,), jnp.int32)]).reshape(NW, GROUPS, 128)
    dst_p = jnp.concatenate(
        [edge_index[1], jnp.full((pad,), N, jnp.int32)]).reshape(NW, GROUPS, 128)
    bn = batch_nodes.reshape(NW, 1, BPW)
    ones128 = jnp.ones((128, F), _f32)
    zeros_f = jnp.zeros((NPAD, F), _f32)
    eps = 1e-5
    s1 = (gamma1 * lax.rsqrt(rv1 + eps)).reshape(1, F)
    c1 = ((b1 - rm1) * s1[0] + beta1).reshape(1, F)
    s2 = (gamma2 * lax.rsqrt(rv2 + eps)).reshape(1, F)
    c2 = ((b2 - rm2) * s2[0] + beta2).reshape(1, F)

    degp = _deg_kernel(dst_p, ones128, zeros_f)
    h1_raw = _mm(features, W1)
    dis16, h1p = _prep(degp, h1_raw)
    p1 = _scatter_kernel(h1p, src_p, dst_p, zeros_f)
    h2p = _layer(p1, h1p, dis16, s1, c1, W2)
    p2 = _scatter_kernel(h2p, src_p, dst_p, zeros_f)
    gp, gh, gd = _gather_kernel(p2, h2p, dis16, bn)
    return _final(gp, gh, gd, s2, c2)

# --- scband reference (transcript-rebuilt; emitter-appended) ---
"""Pipeline reference for scband-double-gcn-53712861003780 (READ-ONLY COPY).

The authoritative reference and input builder live on the scoring server;
editing this copy changes nothing except your own understanding.
"""

import jax, jax.numpy as jnp
import numpy as np

N_NODES = 10000
N_EDGES = 320000
FEAT = 128
HID = 128
OUT = 128
N_BATCH = 1024


def _glorot(key, shape):
    fan_in, fan_out = shape[0], shape[1]
    limit = np.sqrt(6.0 / (fan_in + fan_out))
    return jax.random.uniform(key, shape, dtype=jnp.float32, minval=-limit, maxval=limit)


def setup_inputs(seed: int = 0) -> dict:
    key = jax.random.key(seed)
    ks = jax.random.split(key, 8)
    features = jax.random.normal(ks[0], (N_NODES, FEAT), dtype=jnp.float32)
    edge_index = jax.random.randint(ks[1], (2, N_EDGES), 0, N_NODES, dtype=jnp.int32)
    batch_nodes = jax.random.randint(ks[2], (N_BATCH,), 0, N_NODES, dtype=jnp.int32)
    W1 = _glorot(ks[3], (FEAT, HID))
    b1 = jnp.zeros((HID,), dtype=jnp.float32)
    gamma1 = jnp.ones((HID,), dtype=jnp.float32)
    beta1 = jnp.zeros((HID,), dtype=jnp.float32)
    rm1 = jnp.zeros((HID,), dtype=jnp.float32)
    rv1 = jnp.ones((HID,), dtype=jnp.float32)
    W2 = _glorot(ks[4], (HID, OUT))
    b2 = jnp.zeros((OUT,), dtype=jnp.float32)
    gamma2 = jnp.ones((OUT,), dtype=jnp.float32)
    beta2 = jnp.zeros((OUT,), dtype=jnp.float32)
    rm2 = jnp.zeros((OUT,), dtype=jnp.float32)
    rv2 = jnp.ones((OUT,), dtype=jnp.float32)
    return {
        "features": features,
        "edge_index": edge_index,
        "batch_nodes": batch_nodes,
        "device": 0,
        "W1": W1, "b1": b1, "gamma1": gamma1, "beta1": beta1, "rm1": rm1, "rv1": rv1,
        "W2": W2, "b2": b2, "gamma2": gamma2, "beta2": beta2, "rm2": rm2, "rv2": rv2,
    }


def _gcn_conv(x, edge_index, W, b, n_nodes):
    # PyG GCNConv: add self-loops, symmetric normalization, linear (no bias), aggregate, + bias
    loop = jnp.arange(n_nodes, dtype=edge_index.dtype)
    src = jnp.concatenate([edge_index[0], loop])
    dst = jnp.concatenate([edge_index[1], loop])
    ones = jnp.ones(src.shape[0], dtype=x.dtype)
    deg = jax.ops.segment_sum(ones, dst, num_segments=n_nodes)
    dis = jnp.where(deg > 0, jax.lax.rsqrt(deg), 0.0)
    norm = dis[src] * dis[dst]
    h = x @ W
    msg = h[src] * norm[:, None]
    out = jax.ops.segment_sum(msg, dst, num_segments=n_nodes)
    return out + b


def _bn_eval(x, gamma, beta, rm, rv, eps=1e-5):
    return (x - rm) * jax.lax.rsqrt(rv + eps) * gamma + beta


def reference(features, edge_index, batch_nodes, device,
              W1, b1, gamma1, beta1, rm1, rv1,
              W2, b2, gamma2, beta2, rm2, rv2):
    del device  # device placement is a no-op in the JAX reference
    n = features.shape[0]
    x = _gcn_conv(features, edge_index, W1, b1, n)
    x = _bn_eval(x, gamma1, beta1, rm1, rv1)
    x = jax.nn.relu(x)
    # dropout is identity in eval mode
    x = _gcn_conv(x, edge_index, W2, b2, n)
    x = _bn_eval(x, gamma2, beta2, rm2, rv2)
    x = jax.nn.relu(x)
    z = x[batch_nodes]
    return jax.nn.log_softmax(z, axis=1)

if __name__ == "__main__":
    import jax
    _d = setup_inputs()
    print(jax.jit(kernel)(*tuple(_d.values())))

</pallas_src>

<mosaic_0001>
#map = affine_map<(d0, d1) -> (0, 0, 0)>
#map1 = affine_map<(d0, d1) -> (0, 0)>
module attributes {stable_mosaic.version = 14 : i64} {
  func.func @_deg_body(%arg0: i32, %arg1: i32, %arg2: memref<32x79x128xi32, #tpu.memory_space<hbm>>, %arg3: memref<128x128xf32, #tpu.memory_space<hbm>>, %arg4: memref<10112x128xf32, #tpu.memory_space<hbm>>, %arg5: memref<2x10112x128xf32, #tpu.memory_space<hbm>>, %arg6: memref<79x128xi32, #tpu.memory_space<vmem>>, %arg7: memref<128x128xf32, #tpu.memory_space<vmem>>, %arg8: memref<10112x128xf32, #tpu.memory_space<vmem_shared>>) attributes {dimension_semantics = [#tpu.dimension_semantics<core_parallel>, #tpu.dimension_semantics<subcore_parallel>], iteration_bounds = array<i64: 2, 16>, scalar_prefetch = 0 : i64, scratch_operands = 3 : i64, tpu.core_type = #tpu.core_type<sc_vector_subcore>, window_params = [{transform_indices = #map}, {transform_indices = #map1}, {transform_indices = #map1}, {transform_indices = #map}]} {
    %mul3A = arith.constant 2 : i32
    %mul3A_0 = arith.muli %arg1, %mul3A : i32
    %add3A = arith.addi %mul3A_0, %arg0 : i32
    %mul3A_1 = arith.constant 632 : i32
    %mul3A_2 = arith.muli %arg1, %mul3A_1 : i32
    %mul3A_3 = arith.constant 632 : i32
    %mul3A_4 = arith.muli %arg1, %mul3A_3 : i32
    "tpu.region"() ({
      %run_scoped3A = tpu.sem_alloc : memref<!tpu.dma_semaphore, #tpu.memory_space<semaphore_mem>>
      %dma_start3A = arith.constant 0 : i32
      %dma_start3A_15 = tpu.memref_slice %arg8[%mul3A_4, %dma_start3A] : memref<10112x128xf32, #tpu.memory_space<vmem_shared>> -> memref<632x128xf32, #tpu.memory_space<vmem_shared>>
      %dma_start3A_16 = arith.constant 0 : i32
      %dma_start3A_17 = tpu.memref_slice %arg4[%mul3A_2, %dma_start3A_16] : memref<10112x128xf32, #tpu.memory_space<hbm>> -> memref<632x128xf32, #tpu.memory_space<hbm>>
      tpu.enqueue_dma source(%dma_start3A_17 : memref<632x128xf32, #tpu.memory_space<hbm>>) target(%dma_start3A_15 : memref<632x128xf32, #tpu.memory_space<vmem_shared>>) target_semaphore(%run_scoped3A : memref<!tpu.dma_semaphore, #tpu.memory_space<semaphore_mem>>)
      %dma_wait3A = arith.constant 0 : i32
      %dma_wait3A_18 = tpu.memref_slice %arg8[%mul3A_4, %dma_wait3A] : memref<10112x128xf32, #tpu.memory_space<vmem_shared>> -> memref<632x128xf32, #tpu.memory_space<vmem_shared>>
      %dma_wait3A_19 = arith.constant 0 : i32
      %dma_wait3A_20 = tpu.memref_slice %arg4[%mul3A_2, %dma_wait3A_19] : memref<10112x128xf32, #tpu.memory_space<hbm>> -> memref<632x128xf32, #tpu.memory_space<hbm>>
      tpu.wait_dma2 semaphore(%run_scoped3A : memref<!tpu.dma_semaphore, #tpu.memory_space<semaphore_mem>>) src(%dma_wait3A_20 : memref<632x128xf32, #tpu.memory_space<hbm>>) dst(%dma_wait3A_18 : memref<632x128xf32, #tpu.memory_space<vmem_shared>>)
      tpu.yield
    }) : () -> ()
    "tpu.region"() ({
      %run_scoped3A = tpu.sem_alloc : memref<!tpu.dma_semaphore, #tpu.memory_space<semaphore_mem>>
      tpu.enqueue_dma source(%arg3 : memref<128x128xf32, #tpu.memory_space<hbm>>) target(%arg7 : memref<128x128xf32, #tpu.memory_space<vmem>>) target_semaphore(%run_scoped3A : memref<!tpu.dma_semaphore, #tpu.memory_space<semaphore_mem>>)
      tpu.wait_dma2 semaphore(%run_scoped3A : memref<!tpu.dma_semaphore, #tpu.memory_space<semaphore_mem>>) src(%arg3 : memref<128x128xf32, #tpu.memory_space<hbm>>) dst(%arg7 : memref<128x128xf32, #tpu.memory_space<vmem>>)
      tpu.yield
    }) : () -> ()
    "tpu.region"() ({
      %run_scoped3A = tpu.sem_alloc : memref<!tpu.dma_semaphore, #tpu.memory_space<semaphore_mem>>
      %dma_start3A = arith.constant 0 : i32
      %dma_start3A_15 = arith.constant 0 : i32
      %dma_start3A_16 = tpu.memref_slice %arg2[%add3A, %dma_start3A, %dma_start3A_15] : memref<32x79x128xi32, #tpu.memory_space<hbm>> -> memref<1x79x128xi32, #tpu.memory_space<hbm>>
      %dma_start3A_17 = tpu.memref_squeeze %dma_start3A_16 : memref<1x79x128xi32, #tpu.memory_space<hbm>> -> memref<79x128xi32, #tpu.memory_space<hbm>>
      %dma_start3A_18 = arith.constant 0 : i32
      %dma_start3A_19 = arith.constant 0 : i32
      %dma_start3A_20 = tpu.memref_slice %arg2[%add3A, %dma_start3A_18, %dma_start3A_19] : memref<32x79x128xi32, #tpu.memory_space<hbm>> -> memref<1x79x128xi32, #tpu.memory_space<hbm>>
      %dma_start3A_21 = tpu.memref_squeeze %dma_start3A_20 : memref<1x79x128xi32, #tpu.memory_space<hbm>> -> memref<79x128xi32, #tpu.memory_space<hbm>>
      tpu.enqueue_dma source(%dma_start3A_21 : memref<79x128xi32, #tpu.memory_space<hbm>>) target(%arg6 : memref<79x128xi32, #tpu.memory_space<vmem>>) target_semaphore(%run_scoped3A : memref<!tpu.dma_semaphore, #tpu.memory_space<semaphore_mem>>)
      %dma_wait3A = arith.constant 0 : i32
      %dma_wait3A_22 = arith.constant 0 : i32
      %dma_wait3A_23 = tpu.memref_slice %arg2[%add3A, %dma_wait3A, %dma_wait3A_22] : memref<32x79x128xi32, #tpu.memory_space<hbm>> -> memref<1x79x128xi32, #tpu.memory_space<hbm>>
      %dma_wait3A_24 = tpu.memref_squeeze %dma_wait3A_23 : memref<1x79x128xi32, #tpu.memory_space<hbm>> -> memref<79x128xi32, #tpu.memory_space<hbm>>
      %dma_wait3A_25 = arith.constant 0 : i32
      %dma_wait3A_26 = arith.constant 0 : i32
      %dma_wait3A_27 = tpu.memref_slice %arg2[%add3A, %dma_wait3A_25, %dma_wait3A_26] : memref<32x79x128xi32, #tpu.memory_space<hbm>> -> memref<1x79x128xi32, #tpu.memory_space<hbm>>
      %dma_wait3A_28 = tpu.memref_squeeze %dma_wait3A_27 : memref<1x79x128xi32, #tpu.memory_space<hbm>> -> memref<79x128xi32, #tpu.memory_space<hbm>>
      tpu.wait_dma2 semaphore(%run_scoped3A : memref<!tpu.dma_semaphore, #tpu.memory_space<semaphore_mem>>) src(%dma_wait3A_28 : memref<79x128xi32, #tpu.memory_space<hbm>>) dst(%arg6 : memref<79x128xi32, #tpu.memory_space<vmem>>)
      tpu.yield
    }) : () -> ()
    %barrier3A = arith.constant 0 : index
    tpu.barrier barrier_id(%barrier3A)
    %scan3A = arith.constant 0 : i32
    %scan3A_5 = arith.constant 0 : i32
    %scan3A_6 = arith.constant 79 : i32
    %scan3A_7 = arith.addi %scan3A_5, %scan3A_6 : i32
    %scan3A_8 = arith.constant 1 : i32
    scf.for %scan3A_15 = %scan3A_5 to %scan3A_7 step %scan3A_8  : i32 {
      "tpu.region"() ({
        %run_scoped3A = tpu.sem_alloc : memref<!tpu.dma_semaphore, #tpu.memory_space<semaphore_mem>>
        %dma_start3A = arith.constant 0 : i32
        %dma_start3A_16 = tpu.memref_slice %arg6[%scan3A_15, %dma_start3A] : memref<79x128xi32, #tpu.memory_space<vmem>> -> memref<1x128xi32, #tpu.memory_space<vmem>>
        %dma_start3A_17 = tpu.memref_squeeze %dma_start3A_16 : memref<1x128xi32, #tpu.memory_space<vmem>> -> memref<128xi32, #tpu.memory_space<vmem>>
        %dma_start3A_18 = arith.constant 0 : i32
        %dma_start3A_19 = arith.constant 0 : i32
        %dma_start3A_20 = tpu.memref_slice %arg8[%dma_start3A_18, %dma_start3A_19] : memref<10112x128xf32, #tpu.memory_space<vmem_shared>> -> memref<10112x128xf32, #tpu.memory_space<vmem_shared>>
        tpu.enqueue_indirect_dma source(%arg7 : memref<128x128xf32, #tpu.memory_space<vmem>>) target(%dma_start3A_20 : memref<10112x128xf32, #tpu.memory_space<vmem_shared>>) offsets(%dma_start3A_17 : memref<128xi32, #tpu.memory_space<vmem>>) semaphore(%run_scoped3A : memref<!tpu.dma_semaphore, #tpu.memory_space<semaphore_mem>>) {add = true}
        %dma_wait3A = arith.constant 0 : i32
        %dma_wait3A_21 = tpu.memref_slice %arg6[%scan3A_15, %dma_wait3A] : memref<79x128xi32, #tpu.memory_space<vmem>> -> memref<1x128xi32, #tpu.memory_space<vmem>>
        %dma_wait3A_22 = tpu.memref_squeeze %dma_wait3A_21 : memref<1x128xi32, #tpu.memory_space<vmem>> -> memref<128xi32, #tpu.memory_space<vmem>>
        %dma_wait3A_23 = arith.constant 0 : i32
        %dma_wait3A_24 = arith.constant 0 : i32
        %dma_wait3A_25 = tpu.memref_slice %arg8[%dma_wait3A_23, %dma_wait3A_24] : memref<10112x128xf32, #tpu.memory_space<vmem_shared>> -> memref<10112x128xf32, #tpu.memory_space<vmem_shared>>
        tpu.wait_indirect_dma semaphore(%run_scoped3A : memref<!tpu.dma_semaphore, #tpu.memory_space<semaphore_mem>>) src(%arg7 : memref<128x128xf32, #tpu.memory_space<vmem>>) dst(%dma_wait3A_25 : memref<10112x128xf32, #tpu.memory_space<vmem_shared>>)
        tpu.yield
      }) : () -> ()
    }
    %scan3A_9 = arith.constant 79 : i32
    %barrier3A_10 = arith.constant 0 : index
    tpu.barrier barrier_id(%barrier3A_10)
    %mul3A_11 = arith.constant 632 : i32
    %mul3A_12 = arith.muli %arg1, %mul3A_11 : i32
    %mul3A_13 = arith.constant 632 : i32
    %mul3A_14 = arith.muli %arg1, %mul3A_13 : i32
    "tpu.region"() ({
      %run_scoped3A = tpu.sem_alloc : memref<!tpu.dma_semaphore, #tpu.memory_space<semaphore_mem>>
      %dma_start3A = arith.constant 0 : i32
      %dma_start3A_15 = arith.constant 0 : i32
      %dma_start3A_16 = tpu.memref_slice %arg5[%arg0, %dma_start3A, %dma_start3A_15] : memref<2x10112x128xf32, #tpu.memory_space<hbm>> -> memref<1x10112x128xf32, #tpu.memory_space<hbm>>
      %dma_start3A_17 = tpu.memref_squeeze %dma_start3A_16 : memref<1x10112x128xf32, #tpu.memory_space<hbm>> -> memref<10112x128xf32, #tpu.memory_space<hbm>>
      %dma_start3A_18 = arith.constant 0 : i32
      %dma_start3A_19 = tpu.memref_slice %dma_start3A_17[%mul3A_14, %dma_start3A_18] : memref<10112x128xf32, #tpu.memory_space<hbm>> -> memref<632x128xf32, #tpu.memory_space<hbm>>
      %dma_start3A_20 = arith.constant 0 : i32
      %dma_start3A_21 = tpu.memref_slice %arg8[%mul3A_12, %dma_start3A_20] : memref<10112x128xf32, #tpu.memory_space<vmem_shared>> -> memref<632x128xf32, #tpu.memory_space<vmem_shared>>
      tpu.enqueue_dma source(%dma_start3A_21 : memref<632x128xf32, #tpu.memory_space<vmem_shared>>) target(%dma_start3A_19 : memref<632x128xf32, #tpu.memory_space<hbm>>) target_semaphore(%run_scoped3A : memref<!tpu.dma_semaphore, #tpu.memory_space<semaphore_mem>>)
      %dma_wait3A = arith.constant 0 : i32
      %dma_wait3A_22 = arith.constant 0 : i32
      %dma_wait3A_23 = tpu.memref_slice %arg5[%arg0, %dma_wait3A, %dma_wait3A_22] : memref<2x10112x128xf32, #tpu.memory_space<hbm>> -> memref<1x10112x128xf32, #tpu.memory_space<hbm>>
      %dma_wait3A_24 = tpu.memref_squeeze %dma_wait3A_23 : memref<1x10112x128xf32, #tpu.memory_space<hbm>> -> memref<10112x128xf32, #tpu.memory_space<hbm>>
      %dma_wait3A_25 = arith.constant 0 : i32
      %dma_wait3A_26 = tpu.memref_slice %dma_wait3A_24[%mul3A_14, %dma_wait3A_25] : memref<10112x128xf32, #tpu.memory_space<hbm>> -> memref<632x128xf32, #tpu.memory_space<hbm>>
      %dma_wait3A_27 = arith.constant 0 : i32
      %dma_wait3A_28 = tpu.memref_slice %arg8[%mul3A_12, %dma_wait3A_27] : memref<10112x128xf32, #tpu.memory_space<vmem_shared>> -> memref<632x128xf32, #tpu.memory_space<vmem_shared>>
      tpu.wait_dma2 semaphore(%run_scoped3A : memref<!tpu.dma_semaphore, #tpu.memory_space<semaphore_mem>>) src(%dma_wait3A_28 : memref<632x128xf32, #tpu.memory_space<vmem_shared>>) dst(%dma_wait3A_26 : memref<632x128xf32, #tpu.memory_space<hbm>>)
      tpu.yield
    }) : () -> ()
    return
  }
}

#map = affine_map<(d0, d1) -> (0, 0)>
#map1 = affine_map<(d0, d1) -> (0, 0, 0)>
module attributes {stable_mosaic.version = 14 : i64} {
  func.func @_scatter_body(%arg0: i32, %arg1: i32, %arg2: memref<10000x128xf32, #tpu.memory_space<hbm>>, %arg3: memref<32x79x128xi32, #tpu.memory_space<hbm>>, %arg4: memref<32x79x128xi32, #tpu.memory_space<hbm>>, %arg5: memref<10112x128xf32, #tpu.memory_space<hbm>>, %arg6: memref<10112x256xf32, #tpu.memory_space<hbm>>, %arg7: memref<79x128xi32, #tpu.memory_space<vmem>>, %arg8: memref<79x128xi32, #tpu.memory_space<vmem>>, %arg9: memref<128x128xf32, #tpu.memory_space<vmem>>, %arg10: memref<10112x128xf32, #tpu.memory_space<vmem_shared>>, %arg11: memref<!tpu.dma_semaphore, #tpu.memory_space<semaphore_mem>>) attributes {dimension_semantics = [#tpu.dimension_semantics<core_parallel>, #tpu.dimension_semantics<subcore_parallel>], iteration_bounds = array<i64: 2, 16>, scalar_prefetch = 0 : i64, scratch_operands = 5 : i64, tpu.core_type = #tpu.core_type<sc_vector_subcore>, window_params = [{transform_indices = #map}, {transform_indices = #map1}, {transform_indices = #map1}, {transform_indices = #map}, {transform_indices = #map}]} {
    %mul3A = arith.constant 2 : i32
    %mul3A_0 = arith.muli %arg1, %mul3A : i32
    %add3A = arith.addi %mul3A_0, %arg0 : i32
    %mul3A_1 = arith.constant 632 : i32
    %mul3A_2 = arith.muli %arg1, %mul3A_1 : i32
    %mul3A_3 = arith.constant 632 : i32
    %mul3A_4 = arith.muli %arg1, %mul3A_3 : i32
    "tpu.region"() ({
      %run_scoped3A = tpu.sem_alloc : memref<!tpu.dma_semaphore, #tpu.memory_space<semaphore_mem>>
      %dma_start3A = arith.constant 0 : i32
      %dma_start3A_17 = tpu.memref_slice %arg10[%mul3A_4, %dma_start3A] : memref<10112x128xf32, #tpu.memory_space<vmem_shared>> -> memref<632x128xf32, #tpu.memory_space<vmem_shared>>
      %dma_start3A_18 = arith.constant 0 : i32
      %dma_start3A_19 = tpu.memref_slice %arg5[%mul3A_2, %dma_start3A_18] : memref<10112x128xf32, #tpu.memory_space<hbm>> -> memref<632x128xf32, #tpu.memory_space<hbm>>
      tpu.enqueue_dma source(%dma_start3A_19 : memref<632x128xf32, #tpu.memory_space<hbm>>) target(%dma_start3A_17 : memref<632x128xf32, #tpu.memory_space<vmem_shared>>) target_semaphore(%run_scoped3A : memref<!tpu.dma_semaphore, #tpu.memory_space<semaphore_mem>>)
      %dma_wait3A = arith.constant 0 : i32
      %dma_wait3A_20 = tpu.memref_slice %arg10[%mul3A_4, %dma_wait3A] : memref<10112x128xf32, #tpu.memory_space<vmem_shared>> -> memref<632x128xf32, #tpu.memory_space<vmem_shared>>
      %dma_wait3A_21 = arith.constant 0 : i32
      %dma_wait3A_22 = tpu.memref_slice %arg5[%mul3A_2, %dma_wait3A_21] : memref<10112x128xf32, #tpu.memory_space<hbm>> -> memref<632x128xf32, #tpu.memory_space<hbm>>
      tpu.wait_dma2 semaphore(%run_scoped3A : memref<!tpu.dma_semaphore, #tpu.memory_space<semaphore_mem>>) src(%dma_wait3A_22 : memref<632x128xf32, #tpu.memory_space<hbm>>) dst(%dma_wait3A_20 : memref<632x128xf32, #tpu.memory_space<vmem_shared>>)
      tpu.yield
    }) : () -> ()
    "tpu.region"() ({
      %run_scoped3A = tpu.sem_alloc : memref<!tpu.dma_semaphore, #tpu.memory_space<semaphore_mem>>
      %dma_start3A = arith.constant 0 : i32
      %dma_start3A_17 = arith.constant 0 : i32
      %dma_start3A_18 = tpu.memref_slice %arg3[%add3A, %dma_start3A, %dma_start3A_17] : memref<32x79x128xi32, #tpu.memory_space<hbm>> -> memref<1x79x128xi32, #tpu.memory_space<hbm>>
      %dma_start3A_19 = tpu.memref_squeeze %dma_start3A_18 : memref<1x79x128xi32, #tpu.memory_space<hbm>> -> memref<79x128xi32, #tpu.memory_space<hbm>>
      %dma_start3A_20 = arith.constant 0 : i32
      %dma_start3A_21 = arith.constant 0 : i32
      %dma_start3A_22 = tpu.memref_slice %arg3[%add3A, %dma_start3A_20, %dma_start3A_21] : memref<32x79x128xi32, #tpu.memory_space<hbm>> -> memref<1x79x128xi32, #tpu.memory_space<hbm>>
      %dma_start3A_23 = tpu.memref_squeeze %dma_start3A_22 : memref<1x79x128xi32, #tpu.memory_space<hbm>> -> memref<79x128xi32, #tpu.memory_space<hbm>>
      tpu.enqueue_dma source(%dma_start3A_23 : memref<79x128xi32, #tpu.memory_space<hbm>>) target(%arg7 : memref<79x128xi32, #tpu.memory_space<vmem>>) target_semaphore(%run_scoped3A : memref<!tpu.dma_semaphore, #tpu.memory_space<semaphore_mem>>)
      %dma_wait3A = arith.constant 0 : i32
      %dma_wait3A_24 = arith.constant 0 : i32
      %dma_wait3A_25 = tpu.memref_slice %arg3[%add3A, %dma_wait3A, %dma_wait3A_24] : memref<32x79x128xi32, #tpu.memory_space<hbm>> -> memref<1x79x128xi32, #tpu.memory_space<hbm>>
      %dma_wait3A_26 = tpu.memref_squeeze %dma_wait3A_25 : memref<1x79x128xi32, #tpu.memory_space<hbm>> -> memref<79x128xi32, #tpu.memory_space<hbm>>
      %dma_wait3A_27 = arith.constant 0 : i32
      %dma_wait3A_28 = arith.constant 0 : i32
      %dma_wait3A_29 = tpu.memref_slice %arg3[%add3A, %dma_wait3A_27, %dma_wait3A_28] : memref<32x79x128xi32, #tpu.memory_space<hbm>> -> memref<1x79x128xi32, #tpu.memory_space<hbm>>
      %dma_wait3A_30 = tpu.memref_squeeze %dma_wait3A_29 : memref<1x79x128xi32, #tpu.memory_space<hbm>> -> memref<79x128xi32, #tpu.memory_space<hbm>>
      tpu.wait_dma2 semaphore(%run_scoped3A : memref<!tpu.dma_semaphore, #tpu.memory_space<semaphore_mem>>) src(%dma_wait3A_30 : memref<79x128xi32, #tpu.memory_space<hbm>>) dst(%arg7 : memref<79x128xi32, #tpu.memory_space<vmem>>)
      tpu.yield
    }) : () -> ()
    "tpu.region"() ({
      %run_scoped3A = tpu.sem_alloc : memref<!tpu.dma_semaphore, #tpu.memory_space<semaphore_mem>>
      %dma_start3A = arith.constant 0 : i32
      %dma_start3A_17 = arith.constant 0 : i32
      %dma_start3A_18 = tpu.memref_slice %arg4[%add3A, %dma_start3A, %dma_start3A_17] : memref<32x79x128xi32, #tpu.memory_space<hbm>> -> memref<1x79x128xi32, #tpu.memory_space<hbm>>
      %dma_start3A_19 = tpu.memref_squeeze %dma_start3A_18 : memref<1x79x128xi32, #tpu.memory_space<hbm>> -> memref<79x128xi32, #tpu.memory_space<hbm>>
      %dma_start3A_20 = arith.constant 0 : i32
      %dma_start3A_21 = arith.constant 0 : i32
      %dma_start3A_22 = tpu.memref_slice %arg4[%add3A, %dma_start3A_20, %dma_start3A_21] : memref<32x79x128xi32, #tpu.memory_space<hbm>> -> memref<1x79x128xi32, #tpu.memory_space<hbm>>
      %dma_start3A_23 = tpu.memref_squeeze %dma_start3A_22 : memref<1x79x128xi32, #tpu.memory_space<hbm>> -> memref<79x128xi32, #tpu.memory_space<hbm>>
      tpu.enqueue_dma source(%dma_start3A_23 : memref<79x128xi32, #tpu.memory_space<hbm>>) target(%arg8 : memref<79x128xi32, #tpu.memory_space<vmem>>) target_semaphore(%run_scoped3A : memref<!tpu.dma_semaphore, #tpu.memory_space<semaphore_mem>>)
      %dma_wait3A = arith.constant 0 : i32
      %dma_wait3A_24 = arith.constant 0 : i32
      %dma_wait3A_25 = tpu.memref_slice %arg4[%add3A, %dma_wait3A, %dma_wait3A_24] : memref<32x79x128xi32, #tpu.memory_space<hbm>> -> memref<1x79x128xi32, #tpu.memory_space<hbm>>
      %dma_wait3A_26 = tpu.memref_squeeze %dma_wait3A_25 : memref<1x79x128xi32, #tpu.memory_space<hbm>> -> memref<79x128xi32, #tpu.memory_space<hbm>>
      %dma_wait3A_27 = arith.constant 0 : i32
      %dma_wait3A_28 = arith.constant 0 : i32
      %dma_wait3A_29 = tpu.memref_slice %arg4[%add3A, %dma_wait3A_27, %dma_wait3A_28] : memref<32x79x128xi32, #tpu.memory_space<hbm>> -> memref<1x79x128xi32, #tpu.memory_space<hbm>>
      %dma_wait3A_30 = tpu.memref_squeeze %dma_wait3A_29 : memref<1x79x128xi32, #tpu.memory_space<hbm>> -> memref<79x128xi32, #tpu.memory_space<hbm>>
      tpu.wait_dma2 semaphore(%run_scoped3A : memref<!tpu.dma_semaphore, #tpu.memory_space<semaphore_mem>>) src(%dma_wait3A_30 : memref<79x128xi32, #tpu.memory_space<hbm>>) dst(%arg8 : memref<79x128xi32, #tpu.memory_space<vmem>>)
      tpu.yield
    }) : () -> ()
    %barrier3A = arith.constant 0 : index
    tpu.barrier barrier_id(%barrier3A)
    %scan3A = arith.constant 0 : i32
    %scan3A_5 = arith.constant 0 : i32
    %scan3A_6 = arith.constant 79 : i32
    %scan3A_7 = arith.addi %scan3A_5, %scan3A_6 : i32
    %scan3A_8 = arith.constant 1 : i32
    scf.for %scan3A_17 = %scan3A_5 to %scan3A_7 step %scan3A_8  : i32 {
      %dma_start3A = arith.constant 0 : i32
      %dma_start3A_18 = tpu.memref_slice %arg7[%scan3A_17, %dma_start3A] : memref<79x128xi32, #tpu.memory_space<vmem>> -> memref<1x128xi32, #tpu.memory_space<vmem>>
      %dma_start3A_19 = tpu.memref_squeeze %dma_start3A_18 : memref<1x128xi32, #tpu.memory_space<vmem>> -> memref<128xi32, #tpu.memory_space<vmem>>
      %dma_start3A_20 = arith.constant 0 : i32
      %dma_start3A_21 = arith.constant 0 : i32
      %dma_start3A_22 = tpu.memref_slice %arg2[%dma_start3A_20, %dma_start3A_21] : memref<10000x128xf32, #tpu.memory_space<hbm>> -> memref<10000x128xf32, #tpu.memory_space<hbm>>
      tpu.enqueue_indirect_dma source(%dma_start3A_22 : memref<10000x128xf32, #tpu.memory_space<hbm>>) target(%arg9 : memref<128x128xf32, #tpu.memory_space<vmem>>) offsets(%dma_start3A_19 : memref<128xi32, #tpu.memory_space<vmem>>) semaphore(%arg11 : memref<!tpu.dma_semaphore, #tpu.memory_space<semaphore_mem>>)
      %dma_wait3A = arith.constant 0 : i32
      %dma_wait3A_23 = tpu.memref_slice %arg7[%scan3A_17, %dma_wait3A] : memref<79x128xi32, #tpu.memory_space<vmem>> -> memref<1x128xi32, #tpu.memory_space<vmem>>
      %dma_wait3A_24 = tpu.memref_squeeze %dma_wait3A_23 : memref<1x128xi32, #tpu.memory_space<vmem>> -> memref<128xi32, #tpu.memory_space<vmem>>
      %dma_wait3A_25 = arith.constant 0 : i32
      %dma_wait3A_26 = arith.constant 0 : i32
      %dma_wait3A_27 = tpu.memref_slice %arg2[%dma_wait3A_25, %dma_wait3A_26] : memref<10000x128xf32, #tpu.memory_space<hbm>> -> memref<10000x128xf32, #tpu.memory_space<hbm>>
      tpu.wait_indirect_dma semaphore(%arg11 : memref<!tpu.dma_semaphore, #tpu.memory_space<semaphore_mem>>) src(%dma_wait3A_27 : memref<10000x128xf32, #tpu.memory_space<hbm>>) dst(%arg9 : memref<128x128xf32, #tpu.memory_space<vmem>>)
      "tpu.region"() ({
        %run_scoped3A = tpu.sem_alloc : memref<!tpu.dma_semaphore, #tpu.memory_space<semaphore_mem>>
        %dma_start3A_28 = arith.constant 0 : i32
        %dma_start3A_29 = tpu.memref_slice %arg8[%scan3A_17, %dma_start3A_28] : memref<79x128xi32, #tpu.memory_space<vmem>> -> memref<1x128xi32, #tpu.memory_space<vmem>>
        %dma_start3A_30 = tpu.memref_squeeze %dma_start3A_29 : memref<1x128xi32, #tpu.memory_space<vmem>> -> memref<128xi32, #tpu.memory_space<vmem>>
        %dma_start3A_31 = arith.constant 0 : i32
        %dma_start3A_32 = arith.constant 0 : i32
        %dma_start3A_33 = tpu.memref_slice %arg10[%dma_start3A_31, %dma_start3A_32] : memref<10112x128xf32, #tpu.memory_space<vmem_shared>> -> memref<10112x128xf32, #tpu.memory_space<vmem_shared>>
        tpu.enqueue_indirect_dma source(%arg9 : memref<128x128xf32, #tpu.memory_space<vmem>>) target(%dma_start3A_33 : memref<10112x128xf32, #tpu.memory_space<vmem_shared>>) offsets(%dma_start3A_30 : memref<128xi32, #tpu.memory_space<vmem>>) semaphore(%run_scoped3A : memref<!tpu.dma_semaphore, #tpu.memory_space<semaphore_mem>>) {add = true}
        %dma_wait3A_34 = arith.constant 0 : i32
        %dma_wait3A_35 = tpu.memref_slice %arg8[%scan3A_17, %dma_wait3A_34] : memref<79x128xi32, #tpu.memory_space<vmem>> -> memref<1x128xi32, #tpu.memory_space<vmem>>
        %dma_wait3A_36 = tpu.memref_squeeze %dma_wait3A_35 : memref<1x128xi32, #tpu.memory_space<vmem>> -> memref<128xi32, #tpu.memory_space<vmem>>
        %dma_wait3A_37 = arith.constant 0 : i32
        %dma_wait3A_38 = arith.constant 0 : i32
        %dma_wait3A_39 = tpu.memref_slice %arg10[%dma_wait3A_37, %dma_wait3A_38] : memref<10112x128xf32, #tpu.memory_space<vmem_shared>> -> memref<10112x128xf32, #tpu.memory_space<vmem_shared>>
        tpu.wait_indirect_dma semaphore(%run_scoped3A : memref<!tpu.dma_semaphore, #tpu.memory_space<semaphore_mem>>) src(%arg9 : memref<128x128xf32, #tpu.memory_space<vmem>>) dst(%dma_wait3A_39 : memref<10112x128xf32, #tpu.memory_space<vmem_shared>>)
        tpu.yield
      }) : () -> ()
    }
    %scan3A_9 = arith.constant 79 : i32
    %barrier3A_10 = arith.constant 0 : index
    tpu.barrier barrier_id(%barrier3A_10)
    %mul3A_11 = arith.constant 632 : i32
    %mul3A_12 = arith.muli %arg1, %mul3A_11 : i32
    %mul3A_13 = arith.constant 632 : i32
    %mul3A_14 = arith.muli %arg1, %mul3A_13 : i32
    %mul3A_15 = arith.constant 128 : i32
    %mul3A_16 = arith.muli %arg0, %mul3A_15 : i32
    "tpu.region"() ({
      %run_scoped3A = tpu.sem_alloc : memref<!tpu.dma_semaphore, #tpu.memory_space<semaphore_mem>>
      %dma_start3A = tpu.memref_slice %arg6[%mul3A_14, %mul3A_16] : memref<10112x256xf32, #tpu.memory_space<hbm>> -> memref<632x128xf32, #tpu.memory_space<hbm>>
      %dma_start3A_17 = arith.constant 0 : i32
      %dma_start3A_18 = tpu.memref_slice %arg10[%mul3A_12, %dma_start3A_17] : memref<10112x128xf32, #tpu.memory_space<vmem_shared>> -> memref<632x128xf32, #tpu.memory_space<vmem_shared>>
      tpu.enqueue_dma source(%dma_start3A_18 : memref<632x128xf32, #tpu.memory_space<vmem_shared>>) target(%dma_start3A : memref<632x128xf32, #tpu.memory_space<hbm>>) target_semaphore(%run_scoped3A : memref<!tpu.dma_semaphore, #tpu.memory_space<semaphore_mem>>)
      %dma_wait3A = tpu.memref_slice %arg6[%mul3A_14, %mul3A_16] : memref<10112x256xf32, #tpu.memory_space<hbm>> -> memref<632x128xf32, #tpu.memory_space<hbm>>
      %dma_wait3A_19 = arith.constant 0 : i32
      %dma_wait3A_20 = tpu.memref_slice %arg10[%mul3A_12, %dma_wait3A_19] : memref<10112x128xf32, #tpu.memory_space<vmem_shared>> -> memref<632x128xf32, #tpu.memory_space<vmem_shared>>
      tpu.wait_dma2 semaphore(%run_scoped3A : memref<!tpu.dma_semaphore, #tpu.memory_space<semaphore_mem>>) src(%dma_wait3A_20 : memref<632x128xf32, #tpu.memory_space<vmem_shared>>) dst(%dma_wait3A : memref<632x128xf32, #tpu.memory_space<hbm>>)
      tpu.yield
    }) : () -> ()
    return
  }
}

#map = affine_map<(d0, d1) -> (0, 0)>
#map1 = affine_map<(d0, d1) -> (0, 0, 0)>
module attributes {stable_mosaic.version = 14 : i64} {
  func.func @_scatter_body(%arg0: i32, %arg1: i32, %arg2: memref<10000x128xf32, #tpu.memory_space<hbm>>, %arg3: memref<32x79x128xi32, #tpu.memory_space<hbm>>, %arg4: memref<32x79x128xi32, #tpu.memory_space<hbm>>, %arg5: memref<10112x128xf32, #tpu.memory_space<hbm>>, %arg6: memref<10112x256xf32, #tpu.memory_space<hbm>>, %arg7: memref<79x128xi32, #tpu.memory_space<vmem>>, %arg8: memref<79x128xi32, #tpu.memory_space<vmem>>, %arg9: memref<128x128xf32, #tpu.memory_space<vmem>>, %arg10: memref<10112x128xf32, #tpu.memory_space<vmem_shared>>, %arg11: memref<!tpu.dma_semaphore, #tpu.memory_space<semaphore_mem>>) attributes {dimension_semantics = [#tpu.dimension_semantics<core_parallel>, #tpu.dimension_semantics<subcore_parallel>], iteration_bounds = array<i64: 2, 16>, scalar_prefetch = 0 : i64, scratch_operands = 5 : i64, tpu.core_type = #tpu.core_type<sc_vector_subcore>, window_params = [{transform_indices = #map}, {transform_indices = #map1}, {transform_indices = #map1}, {transform_indices = #map}, {transform_indices = #map}]} {
    %mul3A = arith.constant 2 : i32
    %mul3A_0 = arith.muli %arg1, %mul3A : i32
    %add3A = arith.addi %mul3A_0, %arg0 : i32
    %mul3A_1 = arith.constant 632 : i32
    %mul3A_2 = arith.muli %arg1, %mul3A_1 : i32
    %mul3A_3 = arith.constant 632 : i32
    %mul3A_4 = arith.muli %arg1, %mul3A_3 : i32
    "tpu.region"() ({
      %run_scoped3A = tpu.sem_alloc : memref<!tpu.dma_semaphore, #tpu.memory_space<semaphore_mem>>
      %dma_start3A = arith.constant 0 : i32
      %dma_start3A_17 = tpu.memref_slice %arg10[%mul3A_4, %dma_start3A] : memref<10112x128xf32, #tpu.memory_space<vmem_shared>> -> memref<632x128xf32, #tpu.memory_space<vmem_shared>>
      %dma_start3A_18 = arith.constant 0 : i32
      %dma_start3A_19 = tpu.memref_slice %arg5[%mul3A_2, %dma_start3A_18] : memref<10112x128xf32, #tpu.memory_space<hbm>> -> memref<632x128xf32, #tpu.memory_space<hbm>>
      tpu.enqueue_dma source(%dma_start3A_19 : memref<632x128xf32, #tpu.memory_space<hbm>>) target(%dma_start3A_17 : memref<632x128xf32, #tpu.memory_space<vmem_shared>>) target_semaphore(%run_scoped3A : memref<!tpu.dma_semaphore, #tpu.memory_space<semaphore_mem>>)
      %dma_wait3A = arith.constant 0 : i32
      %dma_wait3A_20 = tpu.memref_slice %arg10[%mul3A_4, %dma_wait3A] : memref<10112x128xf32, #tpu.memory_space<vmem_shared>> -> memref<632x128xf32, #tpu.memory_space<vmem_shared>>
      %dma_wait3A_21 = arith.constant 0 : i32
      %dma_wait3A_22 = tpu.memref_slice %arg5[%mul3A_2, %dma_wait3A_21] : memref<10112x128xf32, #tpu.memory_space<hbm>> -> memref<632x128xf32, #tpu.memory_space<hbm>>
      tpu.wait_dma2 semaphore(%run_scoped3A : memref<!tpu.dma_semaphore, #tpu.memory_space<semaphore_mem>>) src(%dma_wait3A_22 : memref<632x128xf32, #tpu.memory_space<hbm>>) dst(%dma_wait3A_20 : memref<632x128xf32, #tpu.memory_space<vmem_shared>>)
      tpu.yield
    }) : () -> ()
    "tpu.region"() ({
      %run_scoped3A = tpu.sem_alloc : memref<!tpu.dma_semaphore, #tpu.memory_space<semaphore_mem>>
      %dma_start3A = arith.constant 0 : i32
      %dma_start3A_17 = arith.constant 0 : i32
      %dma_start3A_18 = tpu.memref_slice %arg3[%add3A, %dma_start3A, %dma_start3A_17] : memref<32x79x128xi32, #tpu.memory_space<hbm>> -> memref<1x79x128xi32, #tpu.memory_space<hbm>>
      %dma_start3A_19 = tpu.memref_squeeze %dma_start3A_18 : memref<1x79x128xi32, #tpu.memory_space<hbm>> -> memref<79x128xi32, #tpu.memory_space<hbm>>
      %dma_start3A_20 = arith.constant 0 : i32
      %dma_start3A_21 = arith.constant 0 : i32
      %dma_start3A_22 = tpu.memref_slice %arg3[%add3A, %dma_start3A_20, %dma_start3A_21] : memref<32x79x128xi32, #tpu.memory_space<hbm>> -> memref<1x79x128xi32, #tpu.memory_space<hbm>>
      %dma_start3A_23 = tpu.memref_squeeze %dma_start3A_22 : memref<1x79x128xi32, #tpu.memory_space<hbm>> -> memref<79x128xi32, #tpu.memory_space<hbm>>
      tpu.enqueue_dma source(%dma_start3A_23 : memref<79x128xi32, #tpu.memory_space<hbm>>) target(%arg7 : memref<79x128xi32, #tpu.memory_space<vmem>>) target_semaphore(%run_scoped3A : memref<!tpu.dma_semaphore, #tpu.memory_space<semaphore_mem>>)
      %dma_wait3A = arith.constant 0 : i32
      %dma_wait3A_24 = arith.constant 0 : i32
      %dma_wait3A_25 = tpu.memref_slice %arg3[%add3A, %dma_wait3A, %dma_wait3A_24] : memref<32x79x128xi32, #tpu.memory_space<hbm>> -> memref<1x79x128xi32, #tpu.memory_space<hbm>>
      %dma_wait3A_26 = tpu.memref_squeeze %dma_wait3A_25 : memref<1x79x128xi32, #tpu.memory_space<hbm>> -> memref<79x128xi32, #tpu.memory_space<hbm>>
      %dma_wait3A_27 = arith.constant 0 : i32
      %dma_wait3A_28 = arith.constant 0 : i32
      %dma_wait3A_29 = tpu.memref_slice %arg3[%add3A, %dma_wait3A_27, %dma_wait3A_28] : memref<32x79x128xi32, #tpu.memory_space<hbm>> -> memref<1x79x128xi32, #tpu.memory_space<hbm>>
      %dma_wait3A_30 = tpu.memref_squeeze %dma_wait3A_29 : memref<1x79x128xi32, #tpu.memory_space<hbm>> -> memref<79x128xi32, #tpu.memory_space<hbm>>
      tpu.wait_dma2 semaphore(%run_scoped3A : memref<!tpu.dma_semaphore, #tpu.memory_space<semaphore_mem>>) src(%dma_wait3A_30 : memref<79x128xi32, #tpu.memory_space<hbm>>) dst(%arg7 : memref<79x128xi32, #tpu.memory_space<vmem>>)
      tpu.yield
    }) : () -> ()
    "tpu.region"() ({
      %run_scoped3A = tpu.sem_alloc : memref<!tpu.dma_semaphore, #tpu.memory_space<semaphore_mem>>
      %dma_start3A = arith.constant 0 : i32
      %dma_start3A_17 = arith.constant 0 : i32
      %dma_start3A_18 = tpu.memref_slice %arg4[%add3A, %dma_start3A, %dma_start3A_17] : memref<32x79x128xi32, #tpu.memory_space<hbm>> -> memref<1x79x128xi32, #tpu.memory_space<hbm>>
      %dma_start3A_19 = tpu.memref_squeeze %dma_start3A_18 : memref<1x79x128xi32, #tpu.memory_space<hbm>> -> memref<79x128xi32, #tpu.memory_space<hbm>>
      %dma_start3A_20 = arith.constant 0 : i32
      %dma_start3A_21 = arith.constant 0 : i32
      %dma_start3A_22 = tpu.memref_slice %arg4[%add3A, %dma_start3A_20, %dma_start3A_21] : memref<32x79x128xi32, #tpu.memory_space<hbm>> -> memref<1x79x128xi32, #tpu.memory_space<hbm>>
      %dma_start3A_23 = tpu.memref_squeeze %dma_start3A_22 : memref<1x79x128xi32, #tpu.memory_space<hbm>> -> memref<79x128xi32, #tpu.memory_space<hbm>>
      tpu.enqueue_dma source(%dma_start3A_23 : memref<79x128xi32, #tpu.memory_space<hbm>>) target(%arg8 : memref<79x128xi32, #tpu.memory_space<vmem>>) target_semaphore(%run_scoped3A : memref<!tpu.dma_semaphore, #tpu.memory_space<semaphore_mem>>)
      %dma_wait3A = arith.constant 0 : i32
      %dma_wait3A_24 = arith.constant 0 : i32
      %dma_wait3A_25 = tpu.memref_slice %arg4[%add3A, %dma_wait3A, %dma_wait3A_24] : memref<32x79x128xi32, #tpu.memory_space<hbm>> -> memref<1x79x128xi32, #tpu.memory_space<hbm>>
      %dma_wait3A_26 = tpu.memref_squeeze %dma_wait3A_25 : memref<1x79x128xi32, #tpu.memory_space<hbm>> -> memref<79x128xi32, #tpu.memory_space<hbm>>
      %dma_wait3A_27 = arith.constant 0 : i32
      %dma_wait3A_28 = arith.constant 0 : i32
      %dma_wait3A_29 = tpu.memref_slice %arg4[%add3A, %dma_wait3A_27, %dma_wait3A_28] : memref<32x79x128xi32, #tpu.memory_space<hbm>> -> memref<1x79x128xi32, #tpu.memory_space<hbm>>
      %dma_wait3A_30 = tpu.memref_squeeze %dma_wait3A_29 : memref<1x79x128xi32, #tpu.memory_space<hbm>> -> memref<79x128xi32, #tpu.memory_space<hbm>>
      tpu.wait_dma2 semaphore(%run_scoped3A : memref<!tpu.dma_semaphore, #tpu.memory_space<semaphore_mem>>) src(%dma_wait3A_30 : memref<79x128xi32, #tpu.memory_space<hbm>>) dst(%arg8 : memref<79x128xi32, #tpu.memory_space<vmem>>)
      tpu.yield
    }) : () -> ()
    %barrier3A = arith.constant 0 : index
    tpu.barrier barrier_id(%barrier3A)
    %scan3A = arith.constant 0 : i32
    %scan3A_5 = arith.constant 0 : i32
    %scan3A_6 = arith.constant 79 : i32
    %scan3A_7 = arith.addi %scan3A_5, %scan3A_6 : i32
    %scan3A_8 = arith.constant 1 : i32
    scf.for %scan3A_17 = %scan3A_5 to %scan3A_7 step %scan3A_8  : i32 {
      %dma_start3A = arith.constant 0 : i32
      %dma_start3A_18 = tpu.memref_slice %arg7[%scan3A_17, %dma_start3A] : memref<79x128xi32, #tpu.memory_space<vmem>> -> memref<1x128xi32, #tpu.memory_space<vmem>>
      %dma_start3A_19 = tpu.memref_squeeze %dma_start3A_18 : memref<1x128xi32, #tpu.memory_space<vmem>> -> memref<128xi32, #tpu.memory_space<vmem>>
      %dma_start3A_20 = arith.constant 0 : i32
      %dma_start3A_21 = arith.constant 0 : i32
      %dma_start3A_22 = tpu.memref_slice %arg2[%dma_start3A_20, %dma_start3A_21] : memref<10000x128xf32, #tpu.memory_space<hbm>> -> memref<10000x128xf32, #tpu.memory_space<hbm>>
      tpu.enqueue_indirect_dma source(%dma_start3A_22 : memref<10000x128xf32, #tpu.memory_space<hbm>>) target(%arg9 : memref<128x128xf32, #tpu.memory_space<vmem>>) offsets(%dma_start3A_19 : memref<128xi32, #tpu.memory_space<vmem>>) semaphore(%arg11 : memref<!tpu.dma_semaphore, #tpu.memory_space<semaphore_mem>>)
      %dma_wait3A = arith.constant 0 : i32
      %dma_wait3A_23 = tpu.memref_slice %arg7[%scan3A_17, %dma_wait3A] : memref<79x128xi32, #tpu.memory_space<vmem>> -> memref<1x128xi32, #tpu.memory_space<vmem>>
      %dma_wait3A_24 = tpu.memref_squeeze %dma_wait3A_23 : memref<1x128xi32, #tpu.memory_space<vmem>> -> memref<128xi32, #tpu.memory_space<vmem>>
      %dma_wait3A_25 = arith.constant 0 : i32
      %dma_wait3A_26 = arith.constant 0 : i32
      %dma_wait3A_27 = tpu.memref_slice %arg2[%dma_wait3A_25, %dma_wait3A_26] : memref<10000x128xf32, #tpu.memory_space<hbm>> -> memref<10000x128xf32, #tpu.memory_space<hbm>>
      tpu.wait_indirect_dma semaphore(%arg11 : memref<!tpu.dma_semaphore, #tpu.memory_space<semaphore_mem>>) src(%dma_wait3A_27 : memref<10000x128xf32, #tpu.memory_space<hbm>>) dst(%arg9 : memref<128x128xf32, #tpu.memory_space<vmem>>)
      "tpu.region"() ({
        %run_scoped3A = tpu.sem_alloc : memref<!tpu.dma_semaphore, #tpu.memory_space<semaphore_mem>>
        %dma_start3A_28 = arith.constant 0 : i32
        %dma_start3A_29 = tpu.memref_slice %arg8[%scan3A_17, %dma_start3A_28] : memref<79x128xi32, #tpu.memory_space<vmem>> -> memref<1x128xi32, #tpu.memory_space<vmem>>
        %dma_start3A_30 = tpu.memref_squeeze %dma_start3A_29 : memref<1x128xi32, #tpu.memory_space<vmem>> -> memref<128xi32, #tpu.memory_space<vmem>>
        %dma_start3A_31 = arith.constant 0 : i32
        %dma_start3A_32 = arith.constant 0 : i32
        %dma_start3A_33 = tpu.memref_slice %arg10[%dma_start3A_31, %dma_start3A_32] : memref<10112x128xf32, #tpu.memory_space<vmem_shared>> -> memref<10112x128xf32, #tpu.memory_space<vmem_shared>>
        tpu.enqueue_indirect_dma source(%arg9 : memref<128x128xf32, #tpu.memory_space<vmem>>) target(%dma_start3A_33 : memref<10112x128xf32, #tpu.memory_space<vmem_shared>>) offsets(%dma_start3A_30 : memref<128xi32, #tpu.memory_space<vmem>>) semaphore(%run_scoped3A : memref<!tpu.dma_semaphore, #tpu.memory_space<semaphore_mem>>) {add = true}
        %dma_wait3A_34 = arith.constant 0 : i32
        %dma_wait3A_35 = tpu.memref_slice %arg8[%scan3A_17, %dma_wait3A_34] : memref<79x128xi32, #tpu.memory_space<vmem>> -> memref<1x128xi32, #tpu.memory_space<vmem>>
        %dma_wait3A_36 = tpu.memref_squeeze %dma_wait3A_35 : memref<1x128xi32, #tpu.memory_space<vmem>> -> memref<128xi32, #tpu.memory_space<vmem>>
        %dma_wait3A_37 = arith.constant 0 : i32
        %dma_wait3A_38 = arith.constant 0 : i32
        %dma_wait3A_39 = tpu.memref_slice %arg10[%dma_wait3A_37, %dma_wait3A_38] : memref<10112x128xf32, #tpu.memory_space<vmem_shared>> -> memref<10112x128xf32, #tpu.memory_space<vmem_shared>>
        tpu.wait_indirect_dma semaphore(%run_scoped3A : memref<!tpu.dma_semaphore, #tpu.memory_space<semaphore_mem>>) src(%arg9 : memref<128x128xf32, #tpu.memory_space<vmem>>) dst(%dma_wait3A_39 : memref<10112x128xf32, #tpu.memory_space<vmem_shared>>)
        tpu.yield
      }) : () -> ()
    }
    %scan3A_9 = arith.constant 79 : i32
    %barrier3A_10 = arith.constant 0 : index
    tpu.barrier barrier_id(%barrier3A_10)
    %mul3A_11 = arith.constant 632 : i32
    %mul3A_12 = arith.muli %arg1, %mul3A_11 : i32
    %mul3A_13 = arith.constant 632 : i32
    %mul3A_14 = arith.muli %arg1, %mul3A_13 : i32
    %mul3A_15 = arith.constant 128 : i32
    %mul3A_16 = arith.muli %arg0, %mul3A_15 : i32
    "tpu.region"() ({
      %run_scoped3A = tpu.sem_alloc : memref<!tpu.dma_semaphore, #tpu.memory_space<semaphore_mem>>
      %dma_start3A = tpu.memref_slice %arg6[%mul3A_14, %mul3A_16] : memref<10112x256xf32, #tpu.memory_space<hbm>> -> memref<632x128xf32, #tpu.memory_space<hbm>>
      %dma_start3A_17 = arith.constant 0 : i32
      %dma_start3A_18 = tpu.memref_slice %arg10[%mul3A_12, %dma_start3A_17] : memref<10112x128xf32, #tpu.memory_space<vmem_shared>> -> memref<632x128xf32, #tpu.memory_space<vmem_shared>>
      tpu.enqueue_dma source(%dma_start3A_18 : memref<632x128xf32, #tpu.memory_space<vmem_shared>>) target(%dma_start3A : memref<632x128xf32, #tpu.memory_space<hbm>>) target_semaphore(%run_scoped3A : memref<!tpu.dma_semaphore, #tpu.memory_space<semaphore_mem>>)
      %dma_wait3A = tpu.memref_slice %arg6[%mul3A_14, %mul3A_16] : memref<10112x256xf32, #tpu.memory_space<hbm>> -> memref<632x128xf32, #tpu.memory_space<hbm>>
      %dma_wait3A_19 = arith.constant 0 : i32
      %dma_wait3A_20 = tpu.memref_slice %arg10[%mul3A_12, %dma_wait3A_19] : memref<10112x128xf32, #tpu.memory_space<vmem_shared>> -> memref<632x128xf32, #tpu.memory_space<vmem_shared>>
      tpu.wait_dma2 semaphore(%run_scoped3A : memref<!tpu.dma_semaphore, #tpu.memory_space<semaphore_mem>>) src(%dma_wait3A_20 : memref<632x128xf32, #tpu.memory_space<vmem_shared>>) dst(%dma_wait3A : memref<632x128xf32, #tpu.memory_space<hbm>>)
      tpu.yield
    }) : () -> ()
    return
  }
}

#map = affine_map<(d0, d1) -> (0, 0)>
#map1 = affine_map<(d0, d1) -> (0, 0, 0)>
module attributes {stable_mosaic.version = 14 : i64} {
  func.func @_gather_body(%arg0: i32, %arg1: i32, %arg2: memref<10112x256xf32, #tpu.memory_space<hbm>>, %arg3: memref<10000x128xf32, #tpu.memory_space<hbm>>, %arg4: memref<10000x128xf32, #tpu.memory_space<hbm>>, %arg5: memref<32x1x32xi32, #tpu.memory_space<hbm>>, %arg6: memref<1024x256xf32, #tpu.memory_space<hbm>>, %arg7: memref<1024x128xf32, #tpu.memory_space<hbm>>, %arg8: memref<1024x128xf32, #tpu.memory_space<hbm>>, %arg9: memref<1x32xi32, #tpu.memory_space<vmem>>, %arg10: memref<32x256xf32, #tpu.memory_space<vmem>>, %arg11: memref<32x128xf32, #tpu.memory_space<vmem>>, %arg12: memref<32x128xf32, #tpu.memory_space<vmem>>, %arg13: memref<!tpu.dma_semaphore, #tpu.memory_space<semaphore_mem>>) attributes {dimension_semantics = [#tpu.dimension_semantics<core_parallel>, #tpu.dimension_semantics<subcore_parallel>], iteration_bounds = array<i64: 2, 16>, scalar_prefetch = 0 : i64, scratch_operands = 5 : i64, tpu.core_type = #tpu.core_type<sc_vector_subcore>, window_params = [{transform_indices = #map}, {transform_indices = #map}, {transform_indices = #map}, {transform_indices = #map1}, {transform_indices = #map}, {transform_indices = #map}, {transform_indices = #map}]} {
    %mul3A = arith.constant 2 : i32
    %mul3A_0 = arith.muli %arg1, %mul3A : i32
    %add3A = arith.addi %mul3A_0, %arg0 : i32
    "tpu.region"() ({
      %run_scoped3A = tpu.sem_alloc : memref<!tpu.dma_semaphore, #tpu.memory_space<semaphore_mem>>
      %dma_start3A_43 = arith.constant 0 : i32
      %dma_start3A_44 = arith.constant 0 : i32
      %dma_start3A_45 = tpu.memref_slice %arg5[%add3A, %dma_start3A_43, %dma_start3A_44] : memref<32x1x32xi32, #tpu.memory_space<hbm>> -> memref<1x1x32xi32, #tpu.memory_space<hbm>>
      %dma_start3A_46 = tpu.memref_squeeze %dma_start3A_45 : memref<1x1x32xi32, #tpu.memory_space<hbm>> -> memref<1x32xi32, #tpu.memory_space<hbm>>
      %dma_start3A_47 = arith.constant 0 : i32
      %dma_start3A_48 = arith.constant 0 : i32
      %dma_start3A_49 = tpu.memref_slice %arg5[%add3A, %dma_start3A_47, %dma_start3A_48] : memref<32x1x32xi32, #tpu.memory_space<hbm>> -> memref<1x1x32xi32, #tpu.memory_space<hbm>>
      %dma_start3A_50 = tpu.memref_squeeze %dma_start3A_49 : memref<1x1x32xi32, #tpu.memory_space<hbm>> -> memref<1x32xi32, #tpu.memory_space<hbm>>
      tpu.enqueue_dma source(%dma_start3A_50 : memref<1x32xi32, #tpu.memory_space<hbm>>) target(%arg9 : memref<1x32xi32, #tpu.memory_space<vmem>>) target_semaphore(%run_scoped3A : memref<!tpu.dma_semaphore, #tpu.memory_space<semaphore_mem>>)
      %dma_wait3A_51 = arith.constant 0 : i32
      %dma_wait3A_52 = arith.constant 0 : i32
      %dma_wait3A_53 = tpu.memref_slice %arg5[%add3A, %dma_wait3A_51, %dma_wait3A_52] : memref<32x1x32xi32, #tpu.memory_space<hbm>> -> memref<1x1x32xi32, #tpu.memory_space<hbm>>
      %dma_wait3A_54 = tpu.memref_squeeze %dma_wait3A_53 : memref<1x1x32xi32, #tpu.memory_space<hbm>> -> memref<1x32xi32, #tpu.memory_space<hbm>>
      %dma_wait3A_55 = arith.constant 0 : i32
      %dma_wait3A_56 = arith.constant 0 : i32
      %dma_wait3A_57 = tpu.memref_slice %arg5[%add3A, %dma_wait3A_55, %dma_wait3A_56] : memref<32x1x32xi32, #tpu.memory_space<hbm>> -> memref<1x1x32xi32, #tpu.memory_space<hbm>>
      %dma_wait3A_58 = tpu.memref_squeeze %dma_wait3A_57 : memref<1x1x32xi32, #tpu.memory_space<hbm>> -> memref<1x32xi32, #tpu.memory_space<hbm>>
      tpu.wait_dma2 semaphore(%run_scoped3A : memref<!tpu.dma_semaphore, #tpu.memory_space<semaphore_mem>>) src(%dma_wait3A_58 : memref<1x32xi32, #tpu.memory_space<hbm>>) dst(%arg9 : memref<1x32xi32, #tpu.memory_space<vmem>>)
      tpu.yield
    }) : () -> ()
    %dma_start3A = arith.constant 0 : i32
    %dma_start3A_1 = arith.constant 0 : i32
    %dma_start3A_2 = tpu.memref_slice %arg9[%dma_start3A, %dma_start3A_1] : memref<1x32xi32, #tpu.memory_space<vmem>> -> memref<1x32xi32, #tpu.memory_space<vmem>>
    %dma_start3A_3 = tpu.memref_squeeze %dma_start3A_2 : memref<1x32xi32, #tpu.memory_space<vmem>> -> memref<32xi32, #tpu.memory_space<vmem>>
    %dma_start3A_4 = arith.constant 0 : i32
    %dma_start3A_5 = arith.constant 0 : i32
    %dma_start3A_6 = tpu.memref_slice %arg2[%dma_start3A_4, %dma_start3A_5] : memref<10112x256xf32, #tpu.memory_space<hbm>> -> memref<10112x256xf32, #tpu.memory_space<hbm>>
    tpu.enqueue_indirect_dma source(%dma_start3A_6 : memref<10112x256xf32, #tpu.memory_space<hbm>>) target(%arg10 : memref<32x256xf32, #tpu.memory_space<vmem>>) offsets(%dma_start3A_3 : memref<32xi32, #tpu.memory_space<vmem>>) semaphore(%arg13 : memref<!tpu.dma_semaphore, #tpu.memory_space<semaphore_mem>>)
    %dma_wait3A = arith.constant 0 : i32
    %dma_wait3A_7 = arith.constant 0 : i32
    %dma_wait3A_8 = tpu.memref_slice %arg9[%dma_wait3A, %dma_wait3A_7] : memref<1x32xi32, #tpu.memory_space<vmem>> -> memref<1x32xi32, #tpu.memory_space<vmem>>
    %dma_wait3A_9 = tpu.memref_squeeze %dma_wait3A_8 : memref<1x32xi32, #tpu.memory_space<vmem>> -> memref<32xi32, #tpu.memory_space<vmem>>
    %dma_wait3A_10 = arith.constant 0 : i32
    %dma_wait3A_11 = arith.constant 0 : i32
    %dma_wait3A_12 = tpu.memref_slice %arg2[%dma_wait3A_10, %dma_wait3A_11] : memref<10112x256xf32, #tpu.memory_space<hbm>> -> memref<10112x256xf32, #tpu.memory_space<hbm>>
    tpu.wait_indirect_dma semaphore(%arg13 : memref<!tpu.dma_semaphore, #tpu.memory_space<semaphore_mem>>) src(%dma_wait3A_12 : memref<10112x256xf32, #tpu.memory_space<hbm>>) dst(%arg10 : memref<32x256xf32, #tpu.memory_space<vmem>>)
    %dma_start3A_13 = arith.constant 0 : i32
    %dma_start3A_14 = arith.constant 0 : i32
    %dma_start3A_15 = tpu.memref_slice %arg9[%dma_start3A_13, %dma_start3A_14] : memref<1x32xi32, #tpu.memory_space<vmem>> -> memref<1x32xi32, #tpu.memory_space<vmem>>
    %dma_start3A_16 = tpu.memref_squeeze %dma_start3A_15 : memref<1x32xi32, #tpu.memory_space<vmem>> -> memref<32xi32, #tpu.memory_space<vmem>>
    %dma_start3A_17 = arith.constant 0 : i32
    %dma_start3A_18 = arith.constant 0 : i32
    %dma_start3A_19 = tpu.memref_slice %arg3[%dma_start3A_17, %dma_start3A_18] : memref<10000x128xf32, #tpu.memory_space<hbm>> -> memref<10000x128xf32, #tpu.memory_space<hbm>>
    tpu.enqueue_indirect_dma source(%dma_start3A_19 : memref<10000x128xf32, #tpu.memory_space<hbm>>) target(%arg11 : memref<32x128xf32, #tpu.memory_space<vmem>>) offsets(%dma_start3A_16 : memref<32xi32, #tpu.memory_space<vmem>>) semaphore(%arg13 : memref<!tpu.dma_semaphore, #tpu.memory_space<semaphore_mem>>)
    %dma_wait3A_20 = arith.constant 0 : i32
    %dma_wait3A_21 = arith.constant 0 : i32
    %dma_wait3A_22 = tpu.memref_slice %arg9[%dma_wait3A_20, %dma_wait3A_21] : memref<1x32xi32, #tpu.memory_space<vmem>> -> memref<1x32xi32, #tpu.memory_space<vmem>>
    %dma_wait3A_23 = tpu.memref_squeeze %dma_wait3A_22 : memref<1x32xi32, #tpu.memory_space<vmem>> -> memref<32xi32, #tpu.memory_space<vmem>>
    %dma_wait3A_24 = arith.constant 0 : i32
    %dma_wait3A_25 = arith.constant 0 : i32
    %dma_wait3A_26 = tpu.memref_slice %arg3[%dma_wait3A_24, %dma_wait3A_25] : memref<10000x128xf32, #tpu.memory_space<hbm>> -> memref<10000x128xf32, #tpu.memory_space<hbm>>
    tpu.wait_indirect_dma semaphore(%arg13 : memref<!tpu.dma_semaphore, #tpu.memory_space<semaphore_mem>>) src(%dma_wait3A_26 : memref<10000x128xf32, #tpu.memory_space<hbm>>) dst(%arg11 : memref<32x128xf32, #tpu.memory_space<vmem>>)
    %dma_start3A_27 = arith.constant 0 : i32
    %dma_start3A_28 = arith.constant 0 : i32
    %dma_start3A_29 = tpu.memref_slice %arg9[%dma_start3A_27, %dma_start3A_28] : memref<1x32xi32, #tpu.memory_space<vmem>> -> memref<1x32xi32, #tpu.memory_space<vmem>>
    %dma_start3A_30 = tpu.memref_squeeze %dma_start3A_29 : memref<1x32xi32, #tpu.memory_space<vmem>> -> memref<32xi32, #tpu.memory_space<vmem>>
    %dma_start3A_31 = arith.constant 0 : i32
    %dma_start3A_32 = arith.constant 0 : i32
    %dma_start3A_33 = tpu.memref_slice %arg4[%dma_start3A_31, %dma_start3A_32] : memref<10000x128xf32, #tpu.memory_space<hbm>> -> memref<10000x128xf32, #tpu.memory_space<hbm>>
    tpu.enqueue_indirect_dma source(%dma_start3A_33 : memref<10000x128xf32, #tpu.memory_space<hbm>>) target(%arg12 : memref<32x128xf32, #tpu.memory_space<vmem>>) offsets(%dma_start3A_30 : memref<32xi32, #tpu.memory_space<vmem>>) semaphore(%arg13 : memref<!tpu.dma_semaphore, #tpu.memory_space<semaphore_mem>>)
    %dma_wait3A_34 = arith.constant 0 : i32
    %dma_wait3A_35 = arith.constant 0 : i32
    %dma_wait3A_36 = tpu.memref_slice %arg9[%dma_wait3A_34, %dma_wait3A_35] : memref<1x32xi32, #tpu.memory_space<vmem>> -> memref<1x32xi32, #tpu.memory_space<vmem>>
    %dma_wait3A_37 = tpu.memref_squeeze %dma_wait3A_36 : memref<1x32xi32, #tpu.memory_space<vmem>> -> memref<32xi32, #tpu.memory_space<vmem>>
    %dma_wait3A_38 = arith.constant 0 : i32
    %dma_wait3A_39 = arith.constant 0 : i32
    %dma_wait3A_40 = tpu.memref_slice %arg4[%dma_wait3A_38, %dma_wait3A_39] : memref<10000x128xf32, #tpu.memory_space<hbm>> -> memref<10000x128xf32, #tpu.memory_space<hbm>>
    tpu.wait_indirect_dma semaphore(%arg13 : memref<!tpu.dma_semaphore, #tpu.memory_space<semaphore_mem>>) src(%dma_wait3A_40 : memref<10000x128xf32, #tpu.memory_space<hbm>>) dst(%arg12 : memref<32x128xf32, #tpu.memory_space<vmem>>)
    %mul3A_41 = arith.constant 32 : i32
    %mul3A_42 = arith.muli %add3A, %mul3A_41 : i32
    "tpu.region"() ({
      %run_scoped3A = tpu.sem_alloc : memref<!tpu.dma_semaphore, #tpu.memory_space<semaphore_mem>>
      %dma_start3A_43 = arith.constant 0 : i32
      %dma_start3A_44 = tpu.memref_slice %arg6[%mul3A_42, %dma_start3A_43] : memref<1024x256xf32, #tpu.memory_space<hbm>> -> memref<32x256xf32, #tpu.memory_space<hbm>>
      %dma_start3A_45 = arith.constant 0 : i32
      %dma_start3A_46 = tpu.memref_slice %arg6[%mul3A_42, %dma_start3A_45] : memref<1024x256xf32, #tpu.memory_space<hbm>> -> memref<32x256xf32, #tpu.memory_space<hbm>>
      tpu.enqueue_dma source(%arg10 : memref<32x256xf32, #tpu.memory_space<vmem>>) target(%dma_start3A_46 : memref<32x256xf32, #tpu.memory_space<hbm>>) target_semaphore(%run_scoped3A : memref<!tpu.dma_semaphore, #tpu.memory_space<semaphore_mem>>)
      %dma_wait3A_47 = arith.constant 0 : i32
      %dma_wait3A_48 = tpu.memref_slice %arg6[%mul3A_42, %dma_wait3A_47] : memref<1024x256xf32, #tpu.memory_space<hbm>> -> memref<32x256xf32, #tpu.memory_space<hbm>>
      %dma_wait3A_49 = arith.constant 0 : i32
      %dma_wait3A_50 = tpu.memref_slice %arg6[%mul3A_42, %dma_wait3A_49] : memref<1024x256xf32, #tpu.memory_space<hbm>> -> memref<32x256xf32, #tpu.memory_space<hbm>>
      tpu.wait_dma2 semaphore(%run_scoped3A : memref<!tpu.dma_semaphore, #tpu.memory_space<semaphore_mem>>) src(%arg10 : memref<32x256xf32, #tpu.memory_space<vmem>>) dst(%dma_wait3A_50 : memref<32x256xf32, #tpu.memory_space<hbm>>)
      tpu.yield
    }) : () -> ()
    "tpu.region"() ({
      %run_scoped3A = tpu.sem_alloc : memref<!tpu.dma_semaphore, #tpu.memory_space<semaphore_mem>>
      %dma_start3A_43 = arith.constant 0 : i32
      %dma_start3A_44 = tpu.memref_slice %arg7[%mul3A_42, %dma_start3A_43] : memref<1024x128xf32, #tpu.memory_space<hbm>> -> memref<32x128xf32, #tpu.memory_space<hbm>>
      %dma_start3A_45 = arith.constant 0 : i32
      %dma_start3A_46 = tpu.memref_slice %arg7[%mul3A_42, %dma_start3A_45] : memref<1024x128xf32, #tpu.memory_space<hbm>> -> memref<32x128xf32, #tpu.memory_space<hbm>>
      tpu.enqueue_dma source(%arg11 : memref<32x128xf32, #tpu.memory_space<vmem>>) target(%dma_start3A_46 : memref<32x128xf32, #tpu.memory_space<hbm>>) target_semaphore(%run_scoped3A : memref<!tpu.dma_semaphore, #tpu.memory_space<semaphore_mem>>)
      %dma_wait3A_47 = arith.constant 0 : i32
      %dma_wait3A_48 = tpu.memref_slice %arg7[%mul3A_42, %dma_wait3A_47] : memref<1024x128xf32, #tpu.memory_space<hbm>> -> memref<32x128xf32, #tpu.memory_space<hbm>>
      %dma_wait3A_49 = arith.constant 0 : i32
      %dma_wait3A_50 = tpu.memref_slice %arg7[%mul3A_42, %dma_wait3A_49] : memref<1024x128xf32, #tpu.memory_space<hbm>> -> memref<32x128xf32, #tpu.memory_space<hbm>>
      tpu.wait_dma2 semaphore(%run_scoped3A : memref<!tpu.dma_semaphore, #tpu.memory_space<semaphore_mem>>) src(%arg11 : memref<32x128xf32, #tpu.memory_space<vmem>>) dst(%dma_wait3A_50 : memref<32x128xf32, #tpu.memory_space<hbm>>)
      tpu.yield
    }) : () -> ()
    "tpu.region"() ({
      %run_scoped3A = tpu.sem_alloc : memref<!tpu.dma_semaphore, #tpu.memory_space<semaphore_mem>>
      %dma_start3A_43 = arith.constant 0 : i32
      %dma_start3A_44 = tpu.memref_slice %arg8[%mul3A_42, %dma_start3A_43] : memref<1024x128xf32, #tpu.memory_space<hbm>> -> memref<32x128xf32, #tpu.memory_space<hbm>>
      %dma_start3A_45 = arith.constant 0 : i32
      %dma_start3A_46 = tpu.memref_slice %arg8[%mul3A_42, %dma_start3A_45] : memref<1024x128xf32, #tpu.memory_space<hbm>> -> memref<32x128xf32, #tpu.memory_space<hbm>>
      tpu.enqueue_dma source(%arg12 : memref<32x128xf32, #tpu.memory_space<vmem>>) target(%dma_start3A_46 : memref<32x128xf32, #tpu.memory_space<hbm>>) target_semaphore(%run_scoped3A : memref<!tpu.dma_semaphore, #tpu.memory_space<semaphore_mem>>)
      %dma_wait3A_47 = arith.constant 0 : i32
      %dma_wait3A_48 = tpu.memref_slice %arg8[%mul3A_42, %dma_wait3A_47] : memref<1024x128xf32, #tpu.memory_space<hbm>> -> memref<32x128xf32, #tpu.memory_space<hbm>>
      %dma_wait3A_49 = arith.constant 0 : i32
      %dma_wait3A_50 = tpu.memref_slice %arg8[%mul3A_42, %dma_wait3A_49] : memref<1024x128xf32, #tpu.memory_space<hbm>> -> memref<32x128xf32, #tpu.memory_space<hbm>>
      tpu.wait_dma2 semaphore(%run_scoped3A : memref<!tpu.dma_semaphore, #tpu.memory_space<semaphore_mem>>) src(%arg12 : memref<32x128xf32, #tpu.memory_space<vmem>>) dst(%dma_wait3A_50 : memref<32x128xf32, #tpu.memory_space<hbm>>)
      tpu.yield
    }) : () -> ()
    return
  }
}

module attributes {stable_mosaic.version = 14 : i64} {
  func.func @_prep_body(%arg0: memref<2x10112x128xf32, #tpu.memory_space<vmem>>, %arg1: memref<10000x128xf32, #tpu.memory_space<vmem>>, %arg2: memref<10000x128xf32, #tpu.memory_space<vmem>>, %arg3: memref<10000x128xf32, #tpu.memory_space<vmem>>) attributes {dimension_semantics = [], scalar_prefetch = 0 : i64, scratch_operands = 0 : i64, tpu.core_type = #tpu.core_type<tc>} {
    %get3A = arith.constant 0 : index
    %get3A_0 = arith.constant 0 : index
    %get3A_1 = arith.constant 0 : index
    %get3A_2 = vector.load %arg0[%get3A, %get3A_0, %get3A_1] : memref<2x10112x128xf32, #tpu.memory_space<vmem>>, vector<1x10000x1xf32>
    %get3A_3 = vector.shape_cast %get3A_2 : vector<1x10000x1xf32> to vector<10000x1xf32>
    %get3A_4 = arith.constant 1 : index
    %get3A_5 = arith.constant 0 : index
    %get3A_6 = arith.constant 0 : index
    %get3A_7 = vector.load %arg0[%get3A_4, %get3A_5, %get3A_6] : memref<2x10112x128xf32, #tpu.memory_space<vmem>>, vector<1x10000x1xf32>
    %get3A_8 = vector.shape_cast %get3A_7 : vector<1x10000x1xf32> to vector<10000x1xf32>
    %add3A = arith.addf %get3A_3, %get3A_8 : vector<10000x1xf32>
    %add3A_9 = arith.constant 1.000000e+00 : f32
    %add3A_10 = vector.broadcast %add3A_9 : f32 to vector<10000x1xf32>
    %add3A_11 = arith.addf %add3A, %add3A_10 : vector<10000x1xf32>
    %rsqrt3A = math.rsqrt %add3A_11 : vector<10000x1xf32>
    %broadcast_in_dim3A = vector.shape_cast %rsqrt3A : vector<10000x1xf32> to vector<10000x1xf32>
    %broadcast_in_dim3A_12 = vector.broadcast %broadcast_in_dim3A : vector<10000x1xf32> to vector<10000x128xf32>
    %swap3A = arith.constant 0 : index
    %swap3A_13 = arith.constant 0 : index
    %swap3A_14 = vector.load %arg2[%swap3A, %swap3A_13] : memref<10000x128xf32, #tpu.memory_space<vmem>>, vector<10000x128xf32>
    tpu.vector_store %arg2[%swap3A, %swap3A_13], %broadcast_in_dim3A_12 {strides = array<i32>} : memref<10000x128xf32, #tpu.memory_space<vmem>>, vector<10000x128xf32>,
    %get3A_15 = arith.constant 0 : index
    %get3A_16 = arith.constant 0 : index
    %get3A_17 = vector.load %arg1[%get3A_15, %get3A_16] : memref<10000x128xf32, #tpu.memory_space<vmem>>, vector<10000x128xf32>
    %mul3A = vector.broadcast %rsqrt3A : vector<10000x1xf32> to vector<10000x128xf32>
    %mul3A_18 = arith.mulf %get3A_17, %mul3A : vector<10000x128xf32>
    %swap3A_19 = arith.constant 0 : index
    %swap3A_20 = arith.constant 0 : index
    %swap3A_21 = vector.load %arg3[%swap3A_19, %swap3A_20] : memref<10000x128xf32, #tpu.memory_space<vmem>>, vector<10000x128xf32>
    tpu.vector_store %arg3[%swap3A_19, %swap3A_20], %mul3A_18 {strides = array<i32>} : memref<10000x128xf32, #tpu.memory_space<vmem>>, vector<10000x128xf32>,
    return
  }
}

module attributes {stable_mosaic.version = 14 : i64} {
  func.func @_mm_body(%arg0: memref<10000x128xf32, #tpu.memory_space<vmem>>, %arg1: memref<128x128xf32, #tpu.memory_space<vmem>>, %arg2: memref<10000x128xf32, #tpu.memory_space<vmem>>) attributes {dimension_semantics = [], scalar_prefetch = 0 : i64, scratch_operands = 0 : i64, tpu.core_type = #tpu.core_type<tc>} {
    %get3A = arith.constant 0 : index
    %get3A_0 = arith.constant 0 : index
    %get3A_1 = vector.load %arg0[%get3A, %get3A_0] : memref<10000x128xf32, #tpu.memory_space<vmem>>, vector<10000x128xf32>
    %get3A_2 = arith.constant 0 : index
    %get3A_3 = arith.constant 0 : index
    %get3A_4 = vector.load %arg1[%get3A_2, %get3A_3] : memref<128x128xf32, #tpu.memory_space<vmem>>, vector<128x128xf32>
    %dot_general3A = arith.constant dense<0.000000e+00> : vector<10000x128xf32>
    %dot_general3A_5 = tpu.matmul %get3A_1, %get3A_4, %dot_general3A {dimension_numbers = #tpu.dot_dimension_numbers<[1], [0], [0], [1], [0, 0, 1, 1], [], []>, transpose_lhs_hint = false} : vector<10000x128xf32>, vector<128x128xf32>, vector<10000x128xf32> -> vector<10000x128xf32>
    %swap3A = arith.constant 0 : index
    %swap3A_6 = arith.constant 0 : index
    %swap3A_7 = vector.load %arg2[%swap3A, %swap3A_6] : memref<10000x128xf32, #tpu.memory_space<vmem>>, vector<10000x128xf32>
    tpu.vector_store %arg2[%swap3A, %swap3A_6], %dot_general3A_5 {strides = array<i32>} : memref<10000x128xf32, #tpu.memory_space<vmem>>, vector<10000x128xf32>,
    return
  }
}

module attributes {stable_mosaic.version = 14 : i64} {
  func.func @_layer_body(%arg0: memref<10112x256xf32, #tpu.memory_space<vmem>>, %arg1: memref<10000x128xf32, #tpu.memory_space<vmem>>, %arg2: memref<10000x128xf32, #tpu.memory_space<vmem>>, %arg3: memref<1x128xf32, #tpu.memory_space<vmem>>, %arg4: memref<1x128xf32, #tpu.memory_space<vmem>>, %arg5: memref<128x128xf32, #tpu.memory_space<vmem>>, %arg6: memref<10000x128xf32, #tpu.memory_space<vmem>>) attributes {dimension_semantics = [], scalar_prefetch = 0 : i64, scratch_operands = 0 : i64, tpu.core_type = #tpu.core_type<tc>} {
    %get3A = arith.constant 0 : index
    %get3A_0 = arith.constant 0 : index
    %get3A_1 = vector.load %arg0[%get3A, %get3A_0] : memref<10112x256xf32, #tpu.memory_space<vmem>>, vector<10000x128xf32>
    %get3A_2 = arith.constant 0 : index
    %get3A_3 = arith.constant 128 : index
    %get3A_4 = vector.load %arg0[%get3A_2, %get3A_3] : memref<10112x256xf32, #tpu.memory_space<vmem>>, vector<10000x128xf32>
    %add3A = arith.addf %get3A_1, %get3A_4 : vector<10000x128xf32>
    %get3A_5 = arith.constant 0 : index
    %get3A_6 = arith.constant 0 : index
    %get3A_7 = vector.load %arg1[%get3A_5, %get3A_6] : memref<10000x128xf32, #tpu.memory_space<vmem>>, vector<10000x128xf32>
    %add3A_8 = arith.addf %add3A, %get3A_7 : vector<10000x128xf32>
    %get3A_9 = arith.constant 0 : index
    %get3A_10 = arith.constant 0 : index
    %get3A_11 = vector.load %arg2[%get3A_9, %get3A_10] : memref<10000x128xf32, #tpu.memory_space<vmem>>, vector<10000x1xf32>
    %mul3A = vector.broadcast %get3A_11 : vector<10000x1xf32> to vector<10000x128xf32>
    %mul3A_12 = arith.mulf %add3A_8, %mul3A : vector<10000x128xf32>
    %get3A_13 = arith.constant 0 : index
    %get3A_14 = arith.constant 0 : index
    %get3A_15 = vector.load %arg3[%get3A_13, %get3A_14] : memref<1x128xf32, #tpu.memory_space<vmem>>, vector<1x128xf32>
    %mul3A_16 = vector.broadcast %get3A_15 : vector<1x128xf32> to vector<10000x128xf32>
    %mul3A_17 = arith.mulf %mul3A_12, %mul3A_16 : vector<10000x128xf32>
    %get3A_18 = arith.constant 0 : index
    %get3A_19 = arith.constant 0 : index
    %get3A_20 = vector.load %arg4[%get3A_18, %get3A_19] : memref<1x128xf32, #tpu.memory_space<vmem>>, vector<1x128xf32>
    %add3A_21 = vector.broadcast %get3A_20 : vector<1x128xf32> to vector<10000x128xf32>
    %add3A_22 = arith.addf %mul3A_17, %add3A_21 : vector<10000x128xf32>
    %max3A = arith.constant 0.000000e+00 : f32
    %max3A_23 = vector.broadcast %max3A : f32 to vector<10000x128xf32>
    %max3A_24 = arith.maximumf %add3A_22, %max3A_23 : vector<10000x128xf32>
    %get3A_25 = arith.constant 0 : index
    %get3A_26 = arith.constant 0 : index
    %get3A_27 = vector.load %arg5[%get3A_25, %get3A_26] : memref<128x128xf32, #tpu.memory_space<vmem>>, vector<128x128xf32>
    %dot_general3A = arith.constant dense<0.000000e+00> : vector<10000x128xf32>
    %dot_general3A_28 = tpu.matmul %max3A_24, %get3A_27, %dot_general3A {dimension_numbers = #tpu.dot_dimension_numbers<[1], [0], [0], [1], [0, 0, 1, 1], [], []>, transpose_lhs_hint = false} : vector<10000x128xf32>, vector<128x128xf32>, vector<10000x128xf32> -> vector<10000x128xf32>
    %mul3A_29 = vector.broadcast %get3A_11 : vector<10000x1xf32> to vector<10000x128xf32>
    %mul3A_30 = arith.mulf %dot_general3A_28, %mul3A_29 : vector<10000x128xf32>
    %swap3A = arith.constant 0 : index
    %swap3A_31 = arith.constant 0 : index
    %swap3A_32 = vector.load %arg6[%swap3A, %swap3A_31] : memref<10000x128xf32, #tpu.memory_space<vmem>>, vector<10000x128xf32>
    tpu.vector_store %arg6[%swap3A, %swap3A_31], %mul3A_30 {strides = array<i32>} : memref<10000x128xf32, #tpu.memory_space<vmem>>, vector<10000x128xf32>,
    return
  }
}

module attributes {stable_mosaic.version = 14 : i64} {
  func.func @_final_body(%arg0: memref<1024x256xf32, #tpu.memory_space<vmem>>, %arg1: memref<1024x128xf32, #tpu.memory_space<vmem>>, %arg2: memref<1024x128xf32, #tpu.memory_space<vmem>>, %arg3: memref<1x128xf32, #tpu.memory_space<vmem>>, %arg4: memref<1x128xf32, #tpu.memory_space<vmem>>, %arg5: memref<1024x128xf32, #tpu.memory_space<vmem>>) attributes {dimension_semantics = [], scalar_prefetch = 0 : i64, scratch_operands = 0 : i64, tpu.core_type = #tpu.core_type<tc>} {
    %get3A = arith.constant 0 : index
    %get3A_0 = arith.constant 0 : index
    %get3A_1 = vector.load %arg0[%get3A, %get3A_0] : memref<1024x256xf32, #tpu.memory_space<vmem>>, vector<1024x128xf32>
    %get3A_2 = arith.constant 0 : index
    %get3A_3 = arith.constant 128 : index
    %get3A_4 = vector.load %arg0[%get3A_2, %get3A_3] : memref<1024x256xf32, #tpu.memory_space<vmem>>, vector<1024x128xf32>
    %add3A = arith.addf %get3A_1, %get3A_4 : vector<1024x128xf32>
    %get3A_5 = arith.constant 0 : index
    %get3A_6 = arith.constant 0 : index
    %get3A_7 = vector.load %arg1[%get3A_5, %get3A_6] : memref<1024x128xf32, #tpu.memory_space<vmem>>, vector<1024x128xf32>
    %add3A_8 = arith.addf %add3A, %get3A_7 : vector<1024x128xf32>
    %get3A_9 = arith.constant 0 : index
    %get3A_10 = arith.constant 0 : index
    %get3A_11 = vector.load %arg2[%get3A_9, %get3A_10] : memref<1024x128xf32, #tpu.memory_space<vmem>>, vector<1024x1xf32>
    %mul3A = vector.broadcast %get3A_11 : vector<1024x1xf32> to vector<1024x128xf32>
    %mul3A_12 = arith.mulf %add3A_8, %mul3A : vector<1024x128xf32>
    %get3A_13 = arith.constant 0 : index
    %get3A_14 = arith.constant 0 : index
    %get3A_15 = vector.load %arg3[%get3A_13, %get3A_14] : memref<1x128xf32, #tpu.memory_space<vmem>>, vector<1x128xf32>
    %mul3A_16 = vector.broadcast %get3A_15 : vector<1x128xf32> to vector<1024x128xf32>
    %mul3A_17 = arith.mulf %mul3A_12, %mul3A_16 : vector<1024x128xf32>
    %get3A_18 = arith.constant 0 : index
    %get3A_19 = arith.constant 0 : index
    %get3A_20 = vector.load %arg4[%get3A_18, %get3A_19] : memref<1x128xf32, #tpu.memory_space<vmem>>, vector<1x128xf32>
    %add3A_21 = vector.broadcast %get3A_20 : vector<1x128xf32> to vector<1024x128xf32>
    %add3A_22 = arith.addf %mul3A_17, %add3A_21 : vector<1024x128xf32>
    %max3A = arith.constant 0.000000e+00 : f32
    %max3A_23 = vector.broadcast %max3A : f32 to vector<1024x128xf32>
    %max3A_24 = arith.maximumf %add3A_22, %max3A_23 : vector<1024x128xf32>
    %reduce_max3A = arith.constant dense<0xFF800000> : vector<1024xf32>
    %reduce_max3A_25 = vector.multi_reduction <maximumf>, %max3A_24, %reduce_max3A [1] : vector<1024x128xf32> to vector<1024xf32>
    %broadcast_in_dim3A = vector.shape_cast %reduce_max3A_25 : vector<1024xf32> to vector<1024x1xf32>
    %sub3A = vector.broadcast %broadcast_in_dim3A : vector<1024x1xf32> to vector<1024x128xf32>
    %sub3A_26 = arith.subf %max3A_24, %sub3A : vector<1024x128xf32>
    %exp3A = math.exp %sub3A_26 : vector<1024x128xf32>
    %reduce_sum3A = arith.constant dense<0.000000e+00> : vector<1024xf32>
    %reduce_sum3A_27 = vector.multi_reduction <add>, %exp3A, %reduce_sum3A [1] : vector<1024x128xf32> to vector<1024xf32>
    %broadcast_in_dim3A_28 = vector.shape_cast %reduce_sum3A_27 : vector<1024xf32> to vector<1024x1xf32>
    %log3A = math.log %broadcast_in_dim3A_28 : vector<1024x1xf32>
    %sub3A_29 = vector.broadcast %broadcast_in_dim3A : vector<1024x1xf32> to vector<1024x128xf32>
    %sub3A_30 = arith.subf %max3A_24, %sub3A_29 : vector<1024x128xf32>
    %sub3A_31 = vector.broadcast %log3A : vector<1024x1xf32> to vector<1024x128xf32>
    %sub3A_32 = arith.subf %sub3A_30, %sub3A_31 : vector<1024x128xf32>
    %swap3A = arith.constant 0 : index
    %swap3A_33 = arith.constant 0 : index
    %swap3A_34 = vector.load %arg5[%swap3A, %swap3A_33] : memref<1024x128xf32, #tpu.memory_space<vmem>>, vector<1024x128xf32>
    tpu.vector_store %arg5[%swap3A, %swap3A_33], %sub3A_32 {strides = array<i32>} : memref<1024x128xf32, #tpu.memory_space<vmem>>, vector<1024x128xf32>,
    return
  }
}

</mosaic_0001>

<sc_bundles>
// kernel: kernel.10.cloned.1.call-start
scs
__scs_entry_jumppad:
0x0: {  	(pc) =	sbr.rel $0x88, $3  }
0x1: {  	(tag) =	ssettag $0x0;
	lr =	simm.s32 $0x1  }
0x2: {  	[smem:$0x3F92] =	sst lr;
	_ =	strace $0xD0000000  }
0x3: {  	_ = 	snop  }
0x4: {  	_ = 	snop  }
0x5: {  	_ = 	snop  }
0x6: {  	_ = 	snop  }
0x7: {  	_ = 	snop  }
__scs_overlays_trampoline_lowered:
0x8: {  	[smem:$0x3FA1] =	sst s0  }
0x9: {  	[smem:$0x3FA2] =	sst s1  }
0xa: {  	[smem:$0x3FA3] =	sst s2  }
0xb: {  	[smem:$0x3FA4] =	sst s3  }
0xc: {  	[smem:$0x3FA5] =	sst s4  }
0xd: {  	[smem:$0x3FA6] =	sst s5  }
0xe: {  	[smem:$0x3FA7] =	sst s6  }
0xf: {  	[smem:$0x3FA8] =	sst s7  }
0x10: {  	[smem:$0x3FA9] =	sst s8  }
0x11: {  	[smem:$0x3FAA] =	sst s9;
	s0 =	simm.s32 @!p0 $0x0  }
0x12: {  	s1 =	sld [smem:$0x3F90];
	s0 =	simm.s32 @p0 $0x1  }
0x13: {  	[smem:$0x3FAB] =	sst s0;
	s0 =	simm.s32 @!p1 $0x0  }
0x14: {  	s2 =	sld [smem:$0x3F8F];
	s0 =	simm.s32 @p1 $0x1  }
0x15: {  	[smem:$0x3FAC] =	sst s0;
	s0 =	simm.s32 @!p2 $0x0  }
0x16: {  	s3 =	sld [smem:$0x3FDB];
	s0 =	simm.s32 @p2 $0x1  }
0x17: {  	s4 =	simm.s32 $0x1BF5;
	[smem:$0x3FAE] =	sst s0  }
0x18: {  	s0 =	sld [smem:$0x3F91];
	_ =	swait.ge [sflag:s4], $0x0  }
0x19: {  	s7 =	sld [smem:$0x3F92]  }
0x1a: {  	s8 =	sadd.s32 $0xFFFFE003, lr  }
0x1b: {  	s9 =	sadd.s32 $0xFFFFFEF7, lr;
	s5 =	simm.s32 $0xFFFFFFFF;
	p2 =	slt.u32 s8, $0xFFFFF086  }
0x1c: {  	p1 =	slt.u32 s9, $0xF7A;
	s5 =	simm.s32 @!p2 $0x0  }
0x1d: {  	s5 =	simm.s32 @p1 $0x1;
	p0 =	seq.s32 s7, s2  }
0x1e: {  	s7 =	smul.u32 @!p0 $0xF7A, s2;
	p2 =	seq.s32 @!p0 s5, $0x0  }
0x1f: {  	s9 =	smul.u32 $0xF7A, s1;
	s8 =	simm.s32 @!p0 $0x1BF5;
	p2 =	por !p2, p0  }
0x20: {  	[sflag:s8] =	ssyncset.s32 @!p0 $0xFFFFF086;
	s6 =	sadd.s32 @!p0 s3, s7;
	s7 =	simm.s32 @!p0 $0x108  }
0x21: {  	s3 =	sadd.s32 s3, s9;
	s6 =	sadd.s32 @!p0 $0x88, s6;
	s7 =	simm.s32 @p2 $0x1082  }
0x22: {  	[simem:s7], [sflag:s8] =	dma.local @!p0 [hbm:s6], $0xF7A  }
0x23: {  	s9 =	sor.u32 $0xD0000000, s2;
	s6 =	simm.s32 $0x108;
	_ =	swait.ge @!p0 [sflag:s8], $0x0  }
0x24: {  	s3 =	sadd.s32 $0x88, s3;
	s6 =	simm.s32 @!p1 $0x1082;
	[sflag:s4] =	ssyncset.s32 $0xFFFFF086  }
0x25: {  	[simem:s6], [sflag:s4] =	dma.local [hbm:s3], $0xF7A  }
0x26: {  	[smem:$0x3F92] =	sst s1;
	(tag) =	ssettag s2;
	_ =	strace s9  }
0x27: {  	s1 =	sld [smem:$0x3FA2]  }
0x28: {  	s2 =	sld [smem:$0x3FA3]  }
0x29: {  	s4 =	sld [smem:$0x3FA5]  }
0x2a: {  	p0 =	seq.s32 s5, $0x0;
	s5 =	sld [smem:$0x3FA6]  }
0x2b: {  	s6 =	sld [smem:$0x3FA7]  }
0x2c: {  	s7 =	sld [smem:$0x3FA8]  }
0x2d: {  	s3 =	simm.s32 $0x108;
	s8 =	sld [smem:$0x3FA9]  }
0x2e: {  	s3 =	simm.s32 @!p0 $0x1082;
	s9 =	sld [smem:$0x3FAA]  }
0x2f: {  	lr =	sadd.s32 s0, s3;
	s0 =	sld [smem:$0x3FA1]  }
0x30: {  	s3 =	sld [smem:$0x3FA4]  }
0x31: {  	[smem:$0x3FAD] =	sst s10  }
0x32: {  	s10 =	sld [smem:$0x3FAB];
	_ =	sdelay $0x3  }
0x33: {  	p0 =	seq.s32 s10, $0x1;
	s10 =	sld [smem:$0x3FAD];
	_ =	sdelay $0x3  }
0x34: {  	[smem:$0x3FAD] =	sst s10  }
0x35: {  	s10 =	sld [smem:$0x3FAC];
	_ =	sdelay $0x3  }
0x36: {  	p1 =	seq.s32 s10, $0x1;
	s10 =	sld [smem:$0x3FAD];
	_ =	sdelay $0x3  }
0x37: {  	[smem:$0x3FAD] =	sst s10  }
0x38: {  	s10 =	sld [smem:$0x3FAE]  }
0x39: {  	_ = 	snop;
	(pc) =	sbr.ind lr, $3  }
0x3a: {  	_ = 	snop  }
0x3b: {  	_ = 	snop  }
0x3c: {  	p2 =	seq.s32 s10, $0x1;
	s10 =	sld [smem:$0x3FAD]  }
0x3d: {  	_ =	shalt  }
0x3e: {  	_ =	shalt  }
0x3f: {  	_ =	shalt  }
0x40: {  	_ =	shalt  }
0x41: {  	_ =	shalt  }
0x42: {  	_ =	shalt  }
0x43: {  	_ =	shalt  }
0x44: {  	_ =	shalt  }
0x45: {  	_ =	shalt  }
0x46: {  	_ =	shalt  }
0x47: {  	_ =	shalt  }
0x48: {  	_ =	shalt  }
0x49: {  	_ =	shalt  }
0x4a: {  	_ =	shalt  }
0x4b: {  	_ =	shalt  }
0x4c: {  	_ =	shalt  }
0x4d: {  	_ =	shalt  }
0x4e: {  	_ =	shalt  }
0x4f: {  	_ =	shalt  }
0x50: {  	_ =	shalt  }
0x51: {  	_ =	shalt  }
0x52: {  	_ =	shalt  }
0x53: {  	_ =	shalt  }
0x54: {  	_ =	shalt  }
0x55: {  	_ =	shalt  }
0x56: {  	_ =	shalt  }
0x57: {  	_ =	shalt  }
0x58: {  	_ =	shalt  }
0x59: {  	_ =	shalt  }
0x5a: {  	_ =	shalt  }
0x5b: {  	_ =	shalt  }
0x5c: {  	_ =	shalt  }
0x5d: {  	_ =	shalt  }
0x5e: {  	_ =	shalt  }
0x5f: {  	_ =	shalt  }
0x60: {  	_ =	shalt  }
0x61: {  	_ =	shalt  }
0x62: {  	_ =	shalt  }
0x63: {  	_ =	shalt  }
0x64: {  	_ =	shalt  }
0x65: {  	_ =	shalt  }
0x66: {  	_ =	shalt  }
0x67: {  	_ =	shalt  }
0x68: {  	_ =	shalt  }
0x69: {  	_ =	shalt  }
0x6a: {  	_ =	shalt  }
0x6b: {  	_ =	shalt  }
0x6c: {  	_ =	shalt  }
0x6d: {  	_ =	shalt  }
0x6e: {  	_ =	shalt  }
0x6f: {  	_ =	shalt  }
0x70: {  	_ =	shalt  }
0x71: {  	_ =	shalt  }
0x72: {  	_ =	shalt  }
0x73: {  	_ =	shalt  }
0x74: {  	_ =	shalt  }
0x75: {  	_ =	shalt  }
0x76: {  	_ =	shalt  }
0x77: {  	_ =	shalt  }
0x78: {  	_ =	shalt  }
0x79: {  	_ =	shalt  }
0x7a: {  	_ =	shalt  }
0x7b: {  	_ =	shalt  }
0x7c: {  	_ =	shalt  }
0x7d: {  	_ =	shalt  }
0x7e: {  	_ =	shalt  }
0x7f: {  	_ =	shalt  }
0x80: {  	_ =	shalt  }
0x81: {  	_ =	shalt  }
0x82: {  	_ =	shalt  }
0x83: {  	_ =	shalt  }
0x84: {  	_ =	shalt  }
0x85: {  	_ =	shalt  }
0x86: {  	_ =	shalt  }
0x87: {  	_ =	shalt  }
.Lfunc_end0:
.L_simem_size_0:
called_computation_lowered:
.L_overlay_start_0:
0x88: {  	s2 =	sld [smem:$0x3FD9]  }
0x89: {  	s3 =	sld [smem:$0x3FFE];
	_ =	sdelay $0x1  }
0x8a: {  	s1 =	srdreg.scid  }
0x8b: {  	s0 =	sand.u32 $0x1, s1  }
0x8c: {  	s17 =	sshll.u32 s0, $0xA;
	s2 =	sadd.s32 s3, s2  }
0x8d: {  	s2 =	sadd.s32 s2, s17  }
0x8e: {  	[smem:$0x3FB9] =	sst s2  }
0x8f: {  	_ = 	snop  }
0x90: {  	s2 =	sld [smem:$0x3FD0];
	(tm) =	ssettm $0x1  }
0x91: {  	s18 =	sld [smem:$0x3FFB];
	_ =	sdelay $0x3  }
0x92: {  	_ =	strace s18  }
0x93: {  	s3 =	sld [smem:$0x3FFC];
	_ =	sdelay $0x3  }
0x94: {  	_ =	strace s3  }
0x95: {  	s3 =	sld [smem:$0x3FFD];
	_ =	sdelay $0x3  }
0x96: {  	_ =	strace s3  }
0x97: {  	_ =	strace $0x8FFFFFFF  }
0x98: {  	s19 =	sld [smem:$0x3FDB];
	_ =	sdelay $0x1  }
0x99: {  	s4 =	simm.s32 $_scs_section_size  }
0x9a: {  	s5 =	simm.s32 $_size__tile_overlayer_lowered;
	s6 =	simm.s32 $_tile_overlayer_lowered  }
0x9b: {  	s22 =	simm.s32 $0x1BFF;
	s21 =	sshll.u32 s6, $0x1;
	s3 =	sadd.s32 s4, s19  }
0x9c: {  	s7 =	simm.s32 $0x0;
	s20 =	sshll.u32 s5, $0x1;
	s5 =	sadd.s32 s21, s3  }
0x9d: {  	[timem:s7], [sflag:s22] =	dma.local [hbm:s5], s20  }
0x9e: {  	_ =	swait.ge [sflag:s22], s20  }
0x9f: {  	s4 =	ssub.s32 $0x0, s20;
	[sflag:s22] =	ssyncset.done $0x0  }
0xa0: {  	[sflag:s22] =	ssyncadd.s32 s4;
	_ =	sdelay $0x1  }
0xa1: {  	s23 =	simm.s32 $0x1B8B  }
0xa2: {  	_ =	swait.ge [sflag:s23], $0x1  }
0xa3: {  	[sflag:s23] =	ssyncset.done $0x0  }
0xa4: {  	s25 =	simm.s32 $0x1B8E;
	s24 =	sld [smem:$0x3FFE];
	[sflag:s23] =	ssyncadd.s32 $0xFFFFFFFF  }
0xa5: {  	s26 =	simm.s32 $execute0_lowered;
	[smem:$0x3FD2] =	sst s25  }
0xa6: {  	s5 =	sshll.u32 s26, $0x1;
	_ =	strace $0x80000046;
	[dreg:$0x1] =	wrdreg $0xFFFFFFFF  }
0xa7: {  	s28 =	simm.s32 $_size_execute0_lowered;
	s3 =	sadd.s32 s3, s5;
	[dreg:$0x0] =	wrdreg $0x0  }
0xa8: {  	s5 =	sshll.u32 s28, $0x1;
	[dreg:$0x2] =	wrdreg s3  }
0xa9: {  	[dreg:$0x3] =	wrdreg s5  }
0xaa: {  	[dreg:$0x4] =	wrdreg $0xC0  }
0xab: {  	_ =	task [dreg:s7], $0x5FFFF  }
0xac: {  	[dreg:$0x1] =	wrdreg $0xFFFFFFFF  }
0xad: {  	[dreg:$0x0] =	wrdreg $0x60  }
0xae: {  	[dreg:$0x2] =	wrdreg s24  }
0xaf: {  	[dreg:$0x3] =	wrdreg s2  }
0xb0: {  	[dreg:$0x4] =	wrdreg $0x68000  }
0xb1: {  	[dreg:$0x5] =	wrdreg $0x9  }
0xb2: {  	_ =	task.clear_ibuf [dreg:s7], $0x6FFFF;
	_ =	strace $0x90000046  }
0xb3: {  	s29 =	simm.s32 $0x9;
	_ =	strace $0x80000048  }
0xb4: {  	_ =	swait.ge [sflag:s29], $0x1  }
0xb5: {  	[sflag:s29] =	ssyncadd.s32 $0xFFFFFFFF  }
0xb6: {  	_ =	strace $0x90000048  }
0xb7: {  	_ =	sfence  }
0xb8: {  	s30 =	sld [smem:$0x0];
	_ =	sdelay $0x2  }
0xb9: {  	s31 =	sshll.u32 s1, $0xD;
	s1 =	sshrl.u32 s1, $0x2  }
0xba: {  	s3 =	sand.u32 $0x4000, s31;
	s1 =	sadd.s32 s1, s30  }
0xbb: {  	s0 =	sor.u32 s3, s0;
	s1 =	sshll.u32 s1, $0x11  }
0xbc: {  	s0 =	sor.u32 s1, s0  }
0xbd: {  	s0 =	sadd.s32 $0x8F2B, s0  }
0xbe: {  	[sflag:s0] =	ssyncadd.remote.s32 $0x1  }
0xbf: {  	_ =	sfence.sel $0xFFFF  }
0xc0: {  	[dreg:$0x0] =	wrdreg $0xFFFFFFFF;
	(pc) =	sbr.abs _section_cstart, $3  }
0xc1: {  	[dreg:$0x1] =	wrdreg $0xFFFFFFFF  }
0xc2: {  	_ =	task.clear_ibuf [dreg:s7], $0x2FFFF;
	_ =	strace $0x9FFFFFFF  }
0xc3: {  	(tm) =	ssettm $0x7FFFFFFF  }
tec
execute0_lowered:
.L_overlay_start_1:
0x0: {  	(tag) =	ssettag $0x1  }
0x1: {  	s5 =	rddreg [dreg:$0x0]  }
0x2: {  	s1 =	srdreg.scid;
	s2 =	rddreg [dreg:$0x1]  }
0x3: {  	s0 =	stileid.u32;
	s3 =	rddreg [dreg:$0x2];
	s4 =	simm.s32 $0x0  }
0x4: {  	s12 =	simm.s32 $0x80;
	s6 =	sand.u32 $0x1, s1;
	s1 =	rddreg [dreg:$0x3]  }
0x5: {  	s28 =	sshll.u32 s0, $0x1;
	[smem:$0x7FF] =	sst s4;
	s13 =	smul.u32 $0x2780, s0  }
0x6: {  	s9 =	smul.u32 $0x4F000, s0;
	s31 =	sshll.u32 s0, $0x6;
	s7 =	sor.u32 s6, s28  }
0x7: {  	_ =	strace $0x80000047;
	s8 =	smul.u32 $0x27800, s6;
	s6 =	ssub.s32 $0x2, s6  }
0x8: {  	s7 =	smul.u32 $0x500, s7;
	s10 =	sadd.s32 s13, s5;
	s29 =	sshrl.u32 s6, $0x1  }
0x9: {  	s30 =	sshrl.u32 s9, $0x2;
	s8 =	sadd.s32 s8, s5;
	s11 =	ssub.s32 s6, s29  }
0xa: {  	s9 =	sadd.s32 s30, s3;
	s6 =	sor.u32 $0x1C01, s31;
	s7 =	sadd.s32 s7, s5  }
0xb: {  	s5 =	sadd.s32 $0xE800, s10;
	s14 =	sadd.s32 $0x36000, s8;
	s8 =	smax.u32 s11, $0x1  }
0xc: {  	s9 =	sshrl.u32 s9, $0x3;
	s10 =	simm.s32 $0x1;
	s11 =	simm.s32 $0x2800  }
0xd: {  	s7 =	sadd.s32 $0x4800, s7;
	s13 =	sadd.s32 s13, s14;
	s14 =	simm.s32 $0x0  }
.LBB2_1:
0xe: {  	[spmem:s9], [sflag:s6] =	dma.local [hbm:s5], $0x2780  }
0xf: {  	_ =	swait.ge [sflag:s10], $0x2780  }
0x10: {  	[sflag:s10] =	ssyncset.done $0x0  }
0x11: {  	[sflag:s10] =	ssyncadd.s32 $0xFFFFD880  }
0x12: {  	[tilespmem:s11], [sflag:$0x1] =	stream.linear.gather [hbm4b:s2+s4], $0x4000, $0x38;
	[tilespmem:$0x1A400] =	vst v63  }
0x13: {  	_ =	swait.ge [sflag:s10], $0x4000  }
0x14: {  	[sflag:s10] =	ssyncset.done $0x0  }
0x15: {  	[sflag:s10] =	ssyncadd.s32 $0xFFFFC000  }
0x16: {  	[tilespmem:s4], [sflag:$0x1] =	stream.linear.gather [hbm4b:s7+s4], $0x2780, $0x38;
	[tilespmem:$0x1A400] =	vst v63  }
0x17: {  	_ =	swait.ge [sflag:s10], $0x2780  }
0x18: {  	[sflag:s10] =	ssyncset.done $0x0  }
0x19: {  	[sflag:s10] =	ssyncadd.s32 $0xFFFFD880  }
0x1a: {  	s15 =	simm.s32 $0x0;
	[bflag:$0x0] =	sbarrier.arrive $0xFFFF  }
0x1b: {  	[spmem:s3] =	stream.indirect.scatter.add.f32 [tilespmem:s11], [sflag:$0x1], $0x80, s15, s12, $0xb8;
	[tilespmem:$0x1A400] =	vst v63  }
0x1c: {  	_ =	swait.ge [sflag:s10], $0x4000  }
0x1d: {  	s15 =	simm.s32 $0x200;
	[sflag:s10] =	ssyncset.done $0x0  }
.LBB2_2:
0x1e: {  	s16 =	sshra.s32 s15, $0x2;
	[sflag:s10] =	ssyncadd.s32 $0xFFFFC000;
	p0 =	sne.s32 s15, $0x9C00  }
0x1f: {  	[spmem:s3] =	stream.indirect.scatter.add.f32 [tilespmem:s11], [sflag:$0x1], $0x80, s16, s12, $0xb8;
	[tilespmem:$0x1A400] =	vst v63  }
.Ltmp0:
0x20: {  	_ = 	snop;
	(pc) =	sbr.rel @p0 .LBB2_2-.Ltmp0, $4  }
0x21: {  	_ = 	snop  }
0x22: {  	s15 =	sadd.s32 $0x200, s15  }
0x23: {  	_ =	swait.ge [sflag:s10], $0x4000  }
0x24: {  	[sflag:s10] =	ssyncset.done $0x0  }
0x25: {  	s14 =	sadd.s32 $0x1, s14  }
0x26: {  	[sflag:s10] =	ssyncadd.s32 $0xFFFFC000;
	p0 =	sne.s32 s14, s8  }
.Ltmp1:
0x27: {  	[bflag:$0x0] =	sbarrier.arrive $0xFFFF;
	(pc) =	sbr.rel @p0 .LBB2_1-.Ltmp1, $4  }
0x28: {  	[hbm:s13], [sflag:s6] =	dma.local [spmem:s9], $0x2780  }
0x29: {  	_ =	swait.ge [sflag:s10], $0x2780  }
0x2a: {  	[sflag:s10] =	ssyncset.done $0x0  }
0x2b: {  	[sflag:s10] =	ssyncadd.s32 $0xFFFFD880  }
0x2c: {  	_ =	sfence.sel $0x180000  }
0x2d: {  	[bflag:$0x0] =	sbarrier.arrive $0xFFFF  }
0x2e: {  	p0 =	sne.s32 s0, $0x0;
	_ =	strace $0x90000047  }
0x2f: {  	s0 =	sadd.s32 @!p0 $0x100000, s1;
	[bflag:$0x2] =	sbarrier.arrive $0xFFFF  }
0x30: {  	[sflag:s0] =	ssyncadd.tile.s32 @!p0 $0x1;
	_ =	shalt  }
.Lfunc_end2:
_tile_overlayer_lowered:
.L_overlay_start_2:
0x31: {  	(tag) =	ssettag $0x2  }
0x32: {  	s0 =	rddreg [dreg:$0x0];
	s2 =	stileid.u32  }
0x33: {  	s1 =	rddreg [dreg:$0x1];
	p0 =	sne.s32 s2, $0x0  }
0x34: {  	s3 =	rddreg [dreg:$0x2];
	[bflag:$0x3] =	sbarrier.arrive $0xFFFF;
	s2 =	simm.s32 @!p0 $0x1C01  }
0x35: {  	[timem:s3], [sflag:s2] =	dma.local @!p0 [hbm:s0], s1  }
0x36: {  	s0 =	simm.s32 @!p0 $0x1  }
0x37: {  	_ =	swait.ge @!p0 [sflag:s0], s1  }
0x38: {  	s1 =	ssub.s32 @!p0 $0x0, s1;
	[sflag:s0] =	ssyncset.done @!p0 $0x0  }
0x39: {  	[sflag:s0] =	ssyncadd.s32 @!p0 s1  }
0x3a: {  	[bflag:$0x3] =	sbarrier.arrive $0xFFFF  }
0x3b: {  	_ =	shalt  }

// kernel: kernel.13.cloned.1.call-start
scs
__scs_entry_jumppad:
0x0: {  	(pc) =	sbr.rel $0x88, $3  }
0x1: {  	(tag) =	ssettag $0x0;
	lr =	simm.s32 $0x1  }
0x2: {  	[smem:$0x3F92] =	sst lr;
	_ =	strace $0xD0000000  }
0x3: {  	_ = 	snop  }
0x4: {  	_ = 	snop  }
0x5: {  	_ = 	snop  }
0x6: {  	_ = 	snop  }
0x7: {  	_ = 	snop  }
__scs_overlays_trampoline_lowered:
0x8: {  	[smem:$0x3FA1] =	sst s0  }
0x9: {  	[smem:$0x3FA2] =	sst s1  }
0xa: {  	[smem:$0x3FA3] =	sst s2  }
0xb: {  	[smem:$0x3FA4] =	sst s3  }
0xc: {  	[smem:$0x3FA5] =	sst s4  }
0xd: {  	[smem:$0x3FA6] =	sst s5  }
0xe: {  	[smem:$0x3FA7] =	sst s6  }
0xf: {  	[smem:$0x3FA8] =	sst s7  }
0x10: {  	[smem:$0x3FA9] =	sst s8  }
0x11: {  	[smem:$0x3FAA] =	sst s9;
	s0 =	simm.s32 @!p0 $0x0  }
0x12: {  	s1 =	sld [smem:$0x3F90];
	s0 =	simm.s32 @p0 $0x1  }
0x13: {  	[smem:$0x3FAB] =	sst s0;
	s0 =	simm.s32 @!p1 $0x0  }
0x14: {  	s2 =	sld [smem:$0x3F8F];
	s0 =	simm.s32 @p1 $0x1  }
0x15: {  	[smem:$0x3FAC] =	sst s0;
	s0 =	simm.s32 @!p2 $0x0  }
0x16: {  	s3 =	sld [smem:$0x3FDB];
	s0 =	simm.s32 @p2 $0x1  }
0x17: {  	s4 =	simm.s32 $0x1BF5;
	[smem:$0x3FAE] =	sst s0  }
0x18: {  	s0 =	sld [smem:$0x3F91];
	_ =	swait.ge [sflag:s4], $0x0  }
0x19: {  	s7 =	sld [smem:$0x3F92]  }
0x1a: {  	s8 =	sadd.s32 $0xFFFFE003, lr  }
0x1b: {  	s9 =	sadd.s32 $0xFFFFFEF7, lr;
	s5 =	simm.s32 $0xFFFFFFFF;
	p2 =	slt.u32 s8, $0xFFFFF086  }
0x1c: {  	p1 =	slt.u32 s9, $0xF7A;
	s5 =	simm.s32 @!p2 $0x0  }
0x1d: {  	s5 =	simm.s32 @p1 $0x1;
	p0 =	seq.s32 s7, s2  }
0x1e: {  	s7 =	smul.u32 @!p0 $0xF7A, s2;
	p2 =	seq.s32 @!p0 s5, $0x0  }
0x1f: {  	s9 =	smul.u32 $0xF7A, s1;
	s8 =	simm.s32 @!p0 $0x1BF5;
	p2 =	por !p2, p0  }
0x20: {  	[sflag:s8] =	ssyncset.s32 @!p0 $0xFFFFF086;
	s6 =	sadd.s32 @!p0 s3, s7;
	s7 =	simm.s32 @!p0 $0x108  }
0x21: {  	s3 =	sadd.s32 s3, s9;
	s6 =	sadd.s32 @!p0 $0x88, s6;
	s7 =	simm.s32 @p2 $0x1082  }
0x22: {  	[simem:s7], [sflag:s8] =	dma.local @!p0 [hbm:s6], $0xF7A  }
0x23: {  	s9 =	sor.u32 $0xD0000000, s2;
	s6 =	simm.s32 $0x108;
	_ =	swait.ge @!p0 [sflag:s8], $0x0  }
0x24: {  	s3 =	sadd.s32 $0x88, s3;
	s6 =	simm.s32 @!p1 $0x1082;
	[sflag:s4] =	ssyncset.s32 $0xFFFFF086  }
0x25: {  	[simem:s6], [sflag:s4] =	dma.local [hbm:s3], $0xF7A  }
0x26: {  	[smem:$0x3F92] =	sst s1;
	(tag) =	ssettag s2;
	_ =	strace s9  }
0x27: {  	s1 =	sld [smem:$0x3FA2]  }
0x28: {  	s2 =	sld [smem:$0x3FA3]  }
0x29: {  	s4 =	sld [smem:$0x3FA5]  }
0x2a: {  	p0 =	seq.s32 s5, $0x0;
	s5 =	sld [smem:$0x3FA6]  }
0x2b: {  	s6 =	sld [smem:$0x3FA7]  }
0x2c: {  	s7 =	sld [smem:$0x3FA8]  }
0x2d: {  	s3 =	simm.s32 $0x108;
	s8 =	sld [smem:$0x3FA9]  }
0x2e: {  	s3 =	simm.s32 @!p0 $0x1082;
	s9 =	sld [smem:$0x3FAA]  }
0x2f: {  	lr =	sadd.s32 s0, s3;
	s0 =	sld [smem:$0x3FA1]  }
0x30: {  	s3 =	sld [smem:$0x3FA4]  }
0x31: {  	[smem:$0x3FAD] =	sst s10  }
0x32: {  	s10 =	sld [smem:$0x3FAB];
	_ =	sdelay $0x3  }
0x33: {  	p0 =	seq.s32 s10, $0x1;
	s10 =	sld [smem:$0x3FAD];
	_ =	sdelay $0x3  }
0x34: {  	[smem:$0x3FAD] =	sst s10  }
0x35: {  	s10 =	sld [smem:$0x3FAC];
	_ =	sdelay $0x3  }
0x36: {  	p1 =	seq.s32 s10, $0x1;
	s10 =	sld [smem:$0x3FAD];
	_ =	sdelay $0x3  }
0x37: {  	[smem:$0x3FAD] =	sst s10  }
0x38: {  	s10 =	sld [smem:$0x3FAE]  }
0x39: {  	_ = 	snop;
	(pc) =	sbr.ind lr, $3  }
0x3a: {  	_ = 	snop  }
0x3b: {  	_ = 	snop  }
0x3c: {  	p2 =	seq.s32 s10, $0x1;
	s10 =	sld [smem:$0x3FAD]  }
0x3d: {  	_ =	shalt  }
0x3e: {  	_ =	shalt  }
0x3f: {  	_ =	shalt  }
0x40: {  	_ =	shalt  }
0x41: {  	_ =	shalt  }
0x42: {  	_ =	shalt  }
0x43: {  	_ =	shalt  }
0x44: {  	_ =	shalt  }
0x45: {  	_ =	shalt  }
0x46: {  	_ =	shalt  }
0x47: {  	_ =	shalt  }
0x48: {  	_ =	shalt  }
0x49: {  	_ =	shalt  }
0x4a: {  	_ =	shalt  }
0x4b: {  	_ =	shalt  }
0x4c: {  	_ =	shalt  }
0x4d: {  	_ =	shalt  }
0x4e: {  	_ =	shalt  }
0x4f: {  	_ =	shalt  }
0x50: {  	_ =	shalt  }
0x51: {  	_ =	shalt  }
0x52: {  	_ =	shalt  }
0x53: {  	_ =	shalt  }
0x54: {  	_ =	shalt  }
0x55: {  	_ =	shalt  }
0x56: {  	_ =	shalt  }
0x57: {  	_ =	shalt  }
0x58: {  	_ =	shalt  }
0x59: {  	_ =	shalt  }
0x5a: {  	_ =	shalt  }
0x5b: {  	_ =	shalt  }
0x5c: {  	_ =	shalt  }
0x5d: {  	_ =	shalt  }
0x5e: {  	_ =	shalt  }
0x5f: {  	_ =	shalt  }
0x60: {  	_ =	shalt  }
0x61: {  	_ =	shalt  }
0x62: {  	_ =	shalt  }
0x63: {  	_ =	shalt  }
0x64: {  	_ =	shalt  }
0x65: {  	_ =	shalt  }
0x66: {  	_ =	shalt  }
0x67: {  	_ =	shalt  }
0x68: {  	_ =	shalt  }
0x69: {  	_ =	shalt  }
0x6a: {  	_ =	shalt  }
0x6b: {  	_ =	shalt  }
0x6c: {  	_ =	shalt  }
0x6d: {  	_ =	shalt  }
0x6e: {  	_ =	shalt  }
0x6f: {  	_ =	shalt  }
0x70: {  	_ =	shalt  }
0x71: {  	_ =	shalt  }
0x72: {  	_ =	shalt  }
0x73: {  	_ =	shalt  }
0x74: {  	_ =	shalt  }
0x75: {  	_ =	shalt  }
0x76: {  	_ =	shalt  }
0x77: {  	_ =	shalt  }
0x78: {  	_ =	shalt  }
0x79: {  	_ =	shalt  }
0x7a: {  	_ =	shalt  }
0x7b: {  	_ =	shalt  }
0x7c: {  	_ =	shalt  }
0x7d: {  	_ =	shalt  }
0x7e: {  	_ =	shalt  }
0x7f: {  	_ =	shalt  }
0x80: {  	_ =	shalt  }
0x81: {  	_ =	shalt  }
0x82: {  	_ =	shalt  }
0x83: {  	_ =	shalt  }
0x84: {  	_ =	shalt  }
0x85: {  	_ =	shalt  }
0x86: {  	_ =	shalt  }
0x87: {  	_ =	shalt  }
.Lfunc_end0:
.L_simem_size_0:
called_computation.1_lowered:
.L_overlay_start_0:
0x88: {  	s2 =	sld [smem:$0x3FD9]  }
0x89: {  	s3 =	sld [smem:$0x3FFE];
	_ =	sdelay $0x1  }
0x8a: {  	s1 =	srdreg.scid  }
0x8b: {  	s0 =	sand.u32 $0x1, s1  }
0x8c: {  	s16 =	sshll.u32 s0, $0xA;
	s2 =	sadd.s32 s3, s2  }
0x8d: {  	s2 =	sadd.s32 s2, s16  }
0x8e: {  	[smem:$0x3FB9] =	sst s2  }
0x8f: {  	_ = 	snop  }
0x90: {  	(tm) =	ssettm $0x1  }
0x91: {  	s17 =	sld [smem:$0x3FFB];
	_ =	sdelay $0x3  }
0x92: {  	_ =	strace s17  }
0x93: {  	s2 =	sld [smem:$0x3FFC];
	_ =	sdelay $0x3  }
0x94: {  	_ =	strace s2  }
0x95: {  	s2 =	sld [smem:$0x3FFD];
	_ =	sdelay $0x3  }
0x96: {  	_ =	strace s2  }
0x97: {  	_ =	strace $0x8FFFFFFF  }
0x98: {  	s18 =	sld [smem:$0x3FDB];
	_ =	sdelay $0x1  }
0x99: {  	s19 =	simm.s32 $_scs_section_size  }
0x9a: {  	s4 =	simm.s32 $_size__tile_overlayer_lowered;
	s5 =	simm.s32 $_tile_overlayer_lowered  }
0x9b: {  	s22 =	simm.s32 $0x1BFF;
	s21 =	sshll.u32 s5, $0x1;
	s2 =	sadd.s32 s19, s18  }
0x9c: {  	s6 =	simm.s32 $0x0;
	s20 =	sshll.u32 s4, $0x1;
	s4 =	sadd.s32 s21, s2  }
0x9d: {  	[timem:s6], [sflag:s22] =	dma.local [hbm:s4], s20  }
0x9e: {  	_ =	swait.ge [sflag:s22], s20  }
0x9f: {  	s3 =	ssub.s32 $0x0, s20;
	[sflag:s22] =	ssyncset.done $0x0  }
0xa0: {  	[sflag:s22] =	ssyncadd.s32 s3;
	_ =	sdelay $0x1  }
0xa1: {  	s23 =	simm.s32 $0x1B8B  }
0xa2: {  	_ =	swait.ge [sflag:s23], $0x1  }
0xa3: {  	[sflag:s23] =	ssyncset.done $0x0  }
0xa4: {  	s25 =	simm.s32 $0x1B8E;
	s24 =	sld [smem:$0x3FFE];
	[sflag:s23] =	ssyncadd.s32 $0xFFFFFFFF  }
0xa5: {  	s26 =	simm.s32 $execute0_lowered;
	[smem:$0x3FD2] =	sst s25  }
0xa6: {  	s4 =	sshll.u32 s26, $0x1;
	_ =	strace $0x80000049;
	[dreg:$0x1] =	wrdreg $0xFFFFFFFF  }
0xa7: {  	s28 =	simm.s32 $_size_execute0_lowered;
	s2 =	sadd.s32 s2, s4;
	[dreg:$0x0] =	wrdreg $0x0  }
0xa8: {  	s4 =	sshll.u32 s28, $0x1;
	[dreg:$0x2] =	wrdreg s2  }
0xa9: {  	[dreg:$0x3] =	wrdreg s4  }
0xaa: {  	[dreg:$0x4] =	wrdreg $0xC0  }
0xab: {  	_ =	task [dreg:s6], $0x5FFFF  }
0xac: {  	[dreg:$0x1] =	wrdreg $0xFFFFFFFF  }
0xad: {  	[dreg:$0x0] =	wrdreg $0x60  }
0xae: {  	[dreg:$0x2] =	wrdreg s24  }
0xaf: {  	[dreg:$0x3] =	wrdreg $0x90000  }
0xb0: {  	[dreg:$0x4] =	wrdreg $0x9  }
0xb1: {  	_ =	task.clear_ibuf [dreg:s6], $0x5FFFF;
	_ =	strace $0x90000049  }
0xb2: {  	s29 =	simm.s32 $0x9;
	_ =	strace $0x8000004B  }
0xb3: {  	_ =	swait.ge [sflag:s29], $0x1  }
0xb4: {  	[sflag:s29] =	ssyncadd.s32 $0xFFFFFFFF  }
0xb5: {  	_ =	strace $0x9000004B  }
0xb6: {  	_ =	sfence  }
0xb7: {  	s30 =	sld [smem:$0x0];
	_ =	sdelay $0x2  }
0xb8: {  	s31 =	sshll.u32 s1, $0xD;
	s1 =	sshrl.u32 s1, $0x2  }
0xb9: {  	s3 =	sand.u32 $0x4000, s31;
	s1 =	sadd.s32 s1, s30  }
0xba: {  	s0 =	sor.u32 s3, s0;
	s1 =	sshll.u32 s1, $0x11  }
0xbb: {  	s0 =	sor.u32 s1, s0  }
0xbc: {  	s0 =	sadd.s32 $0x8F2B, s0  }
0xbd: {  	[sflag:s0] =	ssyncadd.remote.s32 $0x1  }
0xbe: {  	_ =	sfence.sel $0xFFFF  }
0xbf: {  	[dreg:$0x0] =	wrdreg $0xFFFFFFFF;
	(pc) =	sbr.abs _section_cstart, $3  }
0xc0: {  	[dreg:$0x1] =	wrdreg $0xFFFFFFFF  }
0xc1: {  	_ =	task.clear_ibuf [dreg:s6], $0x2FFFF;
	_ =	strace $0x9FFFFFFF  }
0xc2: {  	(tm) =	ssettm $0x7FFFFFFF  }
0xc3: {  	_ =	shalt  }
tec
execute0_lowered:
.L_overlay_start_1:
0x0: {  	(tag) =	ssettag $0x1  }
0x1: {  	s5 =	rddreg [dreg:$0x0];
	s1 =	srdreg.scid  }
0x2: {  	s0 =	stileid.u32;
	s2 =	rddreg [dreg:$0x1]  }
0x3: {  	s3 =	simm.s32 $0x0;
	s14 =	simm.s32 $0x80;
	s15 =	simm.s32 $0x5000  }
0x4: {  	s16 =	simm.s32 $0x1;
	s17 =	simm.s32 $0x8;
	s18 =	simm.s32 $0x100  }
0x5: {  	s19 =	simm.s32 $0x0;
	s6 =	sand.u32 $0x1, s1;
	s8 =	smul.u32 $0x27800, s0  }
0x6: {  	s4 =	sshll.u32 s0, $0x1;
	s1 =	rddreg [dreg:$0x2];
	s9 =	smul.u32 $0x2780, s0  }
0x7: {  	[smem:$0x7FF] =	sst s3;
	s26 =	smul.u32 $0x4F000, s0;
	s31 =	sshll.u32 s0, $0x6  }
0x8: {  	s4 =	sor.u32 s6, s4;
	_ =	strace $0x8000004A;
	s10 =	sshll.u32 s6, $0xA  }
0x9: {  	s6 =	ssub.s32 $0x2, s6;
	s7 =	smul.u32 $0x500, s4;
	s4 =	sadd.s32 $0x36000, s5  }
0xa: {  	s25 =	sor.u32 s10, s8;
	s29 =	sshrl.u32 s6, $0x1;
	s30 =	sshrl.u32 s26, $0x2  }
0xb: {  	s9 =	sadd.s32 s9, s5;
	s12 =	ssub.s32 s6, s29;
	s13 =	sadd.s32 s30, s2  }
0xc: {  	s6 =	sor.u32 $0x1C02, s31;
	s11 =	sadd.s32 s7, s5;
	s7 =	sshrl.u32 s25, $0x3  }
0xd: {  	s10 =	smax.u32 s12, $0x1;
	s12 =	simm.s32 $0x2;
	s28 =	sadd.s32 s7, s5  }
0xe: {  	s5 =	sadd.s32 $0xE800, s9;
	s7 =	sadd.s32 $0x85000, s11;
	s8 =	sadd.s32 $0x4800, s11  }
0xf: {  	s11 =	sshrl.u32 s13, $0x3;
	s13 =	simm.s32 $0x2800;
	s9 =	sadd.s32 $0x8F000, s28  }
.LBB2_1:
0x10: {  	[spmem:s11], [sflag:s6] =	dma.local [hbm:s5], $0x2780  }
0x11: {  	_ =	swait.ge [sflag:s12], $0x2780  }
0x12: {  	[sflag:s12] =	ssyncset.done $0x0  }
0x13: {  	[sflag:s12] =	ssyncadd.s32 $0xFFFFD880  }
0x14: {  	[tilespmem:s3], [sflag:$0x2] =	stream.linear.gather [hbm4b:s7+s3], $0x2780, $0x38;
	[tilespmem:$0x1CC00] =	vst v63  }
0x15: {  	_ =	swait.ge [sflag:s12], $0x2780  }
0x16: {  	[sflag:s12] =	ssyncset.done $0x0  }
0x17: {  	[sflag:s12] =	ssyncadd.s32 $0xFFFFD880  }
0x18: {  	[tilespmem:s13], [sflag:$0x2] =	stream.linear.gather [hbm4b:s8+s3], $0x2780, $0x38;
	[tilespmem:$0x1CC00] =	vst v63  }
0x19: {  	_ =	swait.ge [sflag:s12], $0x2780  }
0x1a: {  	[sflag:s12] =	ssyncset.done $0x0  }
0x1b: {  	[sflag:s12] =	ssyncadd.s32 $0xFFFFD880  }
0x1c: {  	s20 =	simm.s32 $0x0;
	[bflag:$0x0] =	sbarrier.arrive $0xFFFF  }
0x1d: {  	[tilespmem:s15], [sflag:$0x1] =	stream.indirect.gather [hbm4b:s4+s14], $0x80, s20, s14, $0xb8;
	[tilespmem:$0x1CC00] =	vst v63  }
0x1e: {  	_ =	swait.ge [sflag:s16], $0x4000  }
0x1f: {  	[sflag:s16] =	ssyncset.done $0x0  }
0x20: {  	s31 =	simm.s32 $0x2800;
	[sflag:s16] =	ssyncadd.s32 $0xFFFFC000  }
0x21: {  	[spmem:s2] =	stream.indirect.scatter.add.f32 [tilespmem:s15], [sflag:$0x2], $0x80, s31, s14, $0xb8;
	[tilespmem:$0x1CC00] =	vst v63  }
0x22: {  	_ =	swait.ge [sflag:s12], $0x4000  }
0x23: {  	s21 =	simm.s32 $0x400;
	s20 =	simm.s32 $0x200;
	[sflag:s12] =	ssyncset.done $0x0  }
.LBB2_2:
0x24: {  	s22 =	sshra.s32 s20, $0x2  }
0x25: {  	[sflag:s12] =	ssyncadd.s32 $0xFFFFC000;
	s20 =	smov.u32 s21;
	s23 =	sadd.s32 $0x200, s21  }
0x26: {  	[tilespmem:s15], [sflag:$0x1] =	stream.indirect.gather [hbm4b:s4+s14], $0x80, s22, s14, $0xb8;
	[tilespmem:$0x1CC00] =	vst v63  }
0x27: {  	p0 =	sne.s32 s21, $0x9C00;
	_ =	swait.ge [sflag:s16], $0x4000  }
.Ltmp0:
0x28: {  	[sflag:s16] =	ssyncset.done $0x0;
	(pc) =	sbr.rel @p0 .LBB2_2-.Ltmp0, $4  }
0x29: {  	s21 =	sadd.s32 $0x2800, s22;
	[sflag:s16] =	ssyncadd.s32 $0xFFFFC000  }
0x2a: {  	[spmem:s2] =	stream.indirect.scatter.add.f32 [tilespmem:s15], [sflag:$0x2], $0x80, s21, s14, $0xb8;
	[tilespmem:$0x1CC00] =	vst v63  }
0x2b: {  	_ =	swait.ge [sflag:s12], $0x4000  }
0x2c: {  	s21 =	smov.u32 s23;
	[sflag:s12] =	ssyncset.done $0x0  }
0x2d: {  	s20 =	sshra.s32 s20, $0x2;
	[sflag:s12] =	ssyncadd.s32 $0xFFFFC000  }
0x2e: {  	[tilespmem:s15], [sflag:$0x1] =	stream.indirect.gather [hbm4b:s4+s14], $0x80, s20, s14, $0xb8;
	[tilespmem:$0x1CC00] =	vst v63  }
0x2f: {  	_ =	swait.ge [sflag:s16], $0x4000  }
0x30: {  	[sflag:s16] =	ssyncset.done $0x0  }
0x31: {  	s20 =	sadd.s32 $0x2800, s20;
	[sflag:s16] =	ssyncadd.s32 $0xFFFFC000  }
0x32: {  	[spmem:s2] =	stream.indirect.scatter.add.f32 [tilespmem:s15], [sflag:$0x2], $0x80, s20, s14, $0xb8;
	[tilespmem:$0x1CC00] =	vst v63  }
0x33: {  	_ =	swait.ge [sflag:s12], $0x4000  }
0x34: {  	s19 =	sadd.s32 $0x1, s19;
	[sflag:s12] =	ssyncset.done $0x0  }
0x35: {  	p0 =	sne.s32 s19, s10;
	[sflag:s12] =	ssyncadd.s32 $0xFFFFC000  }
.Ltmp1:
0x36: {  	[bflag:$0x0] =	sbarrier.arrive $0xFFFF;
	(pc) =	sbr.rel @p0 .LBB2_1-.Ltmp1, $4  }
0x37: {  	[hbm:s9@s18], [sflag:s6] =	dma.strided [spmem:s11@s14], $0x2780, s17, $0x10   }
0x38: {  	_ =	swait.ge [sflag:s12], $0x2780  }
0x39: {  	[sflag:s12] =	ssyncset.done $0x0  }
0x3a: {  	[sflag:s12] =	ssyncadd.s32 $0xFFFFD880  }
0x3b: {  	_ =	sfence.sel $0x180000  }
0x3c: {  	[bflag:$0x0] =	sbarrier.arrive $0xFFFF  }
0x3d: {  	p0 =	sne.s32 s0, $0x0;
	_ =	strace $0x9000004A  }
0x3e: {  	s0 =	sadd.s32 @!p0 $0x100000, s1;
	[bflag:$0x2] =	sbarrier.arrive $0xFFFF  }
0x3f: {  	[sflag:s0] =	ssyncadd.tile.s32 @!p0 $0x1;
	_ =	shalt  }
.Lfunc_end2:
_tile_overlayer_lowered:
.L_overlay_start_2:
0x40: {  	(tag) =	ssettag $0x2  }
0x41: {  	s0 =	rddreg [dreg:$0x0];
	s2 =	stileid.u32  }
0x42: {  	s1 =	rddreg [dreg:$0x1];
	p0 =	sne.s32 s2, $0x0  }
0x43: {  	s3 =	rddreg [dreg:$0x2];
	[bflag:$0x3] =	sbarrier.arrive $0xFFFF;
	s2 =	simm.s32 @!p0 $0x1C02  }
0x44: {  	[timem:s3], [sflag:s2] =	dma.local @!p0 [hbm:s0], s1  }
0x45: {  	s0 =	simm.s32 @!p0 $0x2  }
0x46: {  	_ =	swait.ge @!p0 [sflag:s0], s1  }
0x47: {  	s1 =	ssub.s32 @!p0 $0x0, s1;
	[sflag:s0] =	ssyncset.done @!p0 $0x0  }
0x48: {  	[sflag:s0] =	ssyncadd.s32 @!p0 s1  }
0x49: {  	[bflag:$0x3] =	sbarrier.arrive $0xFFFF  }
0x4a: {  	_ =	shalt  }

// kernel: kernel.16.cloned.1.call-start
scs
__scs_entry_jumppad:
0x0: {  	(pc) =	sbr.rel $0x88, $3  }
0x1: {  	(tag) =	ssettag $0x0;
	lr =	simm.s32 $0x1  }
0x2: {  	[smem:$0x3F92] =	sst lr;
	_ =	strace $0xD0000000  }
0x3: {  	_ = 	snop  }
0x4: {  	_ = 	snop  }
0x5: {  	_ = 	snop  }
0x6: {  	_ = 	snop  }
0x7: {  	_ = 	snop  }
__scs_overlays_trampoline_lowered:
0x8: {  	[smem:$0x3FA1] =	sst s0  }
0x9: {  	[smem:$0x3FA2] =	sst s1  }
0xa: {  	[smem:$0x3FA3] =	sst s2  }
0xb: {  	[smem:$0x3FA4] =	sst s3  }
0xc: {  	[smem:$0x3FA5] =	sst s4  }
0xd: {  	[smem:$0x3FA6] =	sst s5  }
0xe: {  	[smem:$0x3FA7] =	sst s6  }
0xf: {  	[smem:$0x3FA8] =	sst s7  }
0x10: {  	[smem:$0x3FA9] =	sst s8  }
0x11: {  	[smem:$0x3FAA] =	sst s9;
	s0 =	simm.s32 @!p0 $0x0  }
0x12: {  	s1 =	sld [smem:$0x3F90];
	s0 =	simm.s32 @p0 $0x1  }
0x13: {  	[smem:$0x3FAB] =	sst s0;
	s0 =	simm.s32 @!p1 $0x0  }
0x14: {  	s2 =	sld [smem:$0x3F8F];
	s0 =	simm.s32 @p1 $0x1  }
0x15: {  	[smem:$0x3FAC] =	sst s0;
	s0 =	simm.s32 @!p2 $0x0  }
0x16: {  	s3 =	sld [smem:$0x3FDB];
	s0 =	simm.s32 @p2 $0x1  }
0x17: {  	s4 =	simm.s32 $0x1BF5;
	[smem:$0x3FAE] =	sst s0  }
0x18: {  	s0 =	sld [smem:$0x3F91];
	_ =	swait.ge [sflag:s4], $0x0  }
0x19: {  	s7 =	sld [smem:$0x3F92]  }
0x1a: {  	s8 =	sadd.s32 $0xFFFFE003, lr  }
0x1b: {  	s9 =	sadd.s32 $0xFFFFFEF7, lr;
	s5 =	simm.s32 $0xFFFFFFFF;
	p2 =	slt.u32 s8, $0xFFFFF086  }
0x1c: {  	p1 =	slt.u32 s9, $0xF7A;
	s5 =	simm.s32 @!p2 $0x0  }
0x1d: {  	s5 =	simm.s32 @p1 $0x1;
	p0 =	seq.s32 s7, s2  }
0x1e: {  	s7 =	smul.u32 @!p0 $0xF7A, s2;
	p2 =	seq.s32 @!p0 s5, $0x0  }
0x1f: {  	s9 =	smul.u32 $0xF7A, s1;
	s8 =	simm.s32 @!p0 $0x1BF5;
	p2 =	por !p2, p0  }
0x20: {  	[sflag:s8] =	ssyncset.s32 @!p0 $0xFFFFF086;
	s6 =	sadd.s32 @!p0 s3, s7;
	s7 =	simm.s32 @!p0 $0x108  }
0x21: {  	s3 =	sadd.s32 s3, s9;
	s6 =	sadd.s32 @!p0 $0x88, s6;
	s7 =	simm.s32 @p2 $0x1082  }
0x22: {  	[simem:s7], [sflag:s8] =	dma.local @!p0 [hbm:s6], $0xF7A  }
0x23: {  	s9 =	sor.u32 $0xD0000000, s2;
	s6 =	simm.s32 $0x108;
	_ =	swait.ge @!p0 [sflag:s8], $0x0  }
0x24: {  	s3 =	sadd.s32 $0x88, s3;
	s6 =	simm.s32 @!p1 $0x1082;
	[sflag:s4] =	ssyncset.s32 $0xFFFFF086  }
0x25: {  	[simem:s6], [sflag:s4] =	dma.local [hbm:s3], $0xF7A  }
0x26: {  	[smem:$0x3F92] =	sst s1;
	(tag) =	ssettag s2;
	_ =	strace s9  }
0x27: {  	s1 =	sld [smem:$0x3FA2]  }
0x28: {  	s2 =	sld [smem:$0x3FA3]  }
0x29: {  	s4 =	sld [smem:$0x3FA5]  }
0x2a: {  	p0 =	seq.s32 s5, $0x0;
	s5 =	sld [smem:$0x3FA6]  }
0x2b: {  	s6 =	sld [smem:$0x3FA7]  }
0x2c: {  	s7 =	sld [smem:$0x3FA8]  }
0x2d: {  	s3 =	simm.s32 $0x108;
	s8 =	sld [smem:$0x3FA9]  }
0x2e: {  	s3 =	simm.s32 @!p0 $0x1082;
	s9 =	sld [smem:$0x3FAA]  }
0x2f: {  	lr =	sadd.s32 s0, s3;
	s0 =	sld [smem:$0x3FA1]  }
0x30: {  	s3 =	sld [smem:$0x3FA4]  }
0x31: {  	[smem:$0x3FAD] =	sst s10  }
0x32: {  	s10 =	sld [smem:$0x3FAB];
	_ =	sdelay $0x3  }
0x33: {  	p0 =	seq.s32 s10, $0x1;
	s10 =	sld [smem:$0x3FAD];
	_ =	sdelay $0x3  }
0x34: {  	[smem:$0x3FAD] =	sst s10  }
0x35: {  	s10 =	sld [smem:$0x3FAC];
	_ =	sdelay $0x3  }
0x36: {  	p1 =	seq.s32 s10, $0x1;
	s10 =	sld [smem:$0x3FAD];
	_ =	sdelay $0x3  }
0x37: {  	[smem:$0x3FAD] =	sst s10  }
0x38: {  	s10 =	sld [smem:$0x3FAE]  }
0x39: {  	_ = 	snop;
	(pc) =	sbr.ind lr, $3  }
0x3a: {  	_ = 	snop  }
0x3b: {  	_ = 	snop  }
0x3c: {  	p2 =	seq.s32 s10, $0x1;
	s10 =	sld [smem:$0x3FAD]  }
0x3d: {  	_ =	shalt  }
0x3e: {  	_ =	shalt  }
0x3f: {  	_ =	shalt  }
0x40: {  	_ =	shalt  }
0x41: {  	_ =	shalt  }
0x42: {  	_ =	shalt  }
0x43: {  	_ =	shalt  }
0x44: {  	_ =	shalt  }
0x45: {  	_ =	shalt  }
0x46: {  	_ =	shalt  }
0x47: {  	_ =	shalt  }
0x48: {  	_ =	shalt  }
0x49: {  	_ =	shalt  }
0x4a: {  	_ =	shalt  }
0x4b: {  	_ =	shalt  }
0x4c: {  	_ =	shalt  }
0x4d: {  	_ =	shalt  }
0x4e: {  	_ =	shalt  }
0x4f: {  	_ =	shalt  }
0x50: {  	_ =	shalt  }
0x51: {  	_ =	shalt  }
0x52: {  	_ =	shalt  }
0x53: {  	_ =	shalt  }
0x54: {  	_ =	shalt  }
0x55: {  	_ =	shalt  }
0x56: {  	_ =	shalt  }
0x57: {  	_ =	shalt  }
0x58: {  	_ =	shalt  }
0x59: {  	_ =	shalt  }
0x5a: {  	_ =	shalt  }
0x5b: {  	_ =	shalt  }
0x5c: {  	_ =	shalt  }
0x5d: {  	_ =	shalt  }
0x5e: {  	_ =	shalt  }
0x5f: {  	_ =	shalt  }
0x60: {  	_ =	shalt  }
0x61: {  	_ =	shalt  }
0x62: {  	_ =	shalt  }
0x63: {  	_ =	shalt  }
0x64: {  	_ =	shalt  }
0x65: {  	_ =	shalt  }
0x66: {  	_ =	shalt  }
0x67: {  	_ =	shalt  }
0x68: {  	_ =	shalt  }
0x69: {  	_ =	shalt  }
0x6a: {  	_ =	shalt  }
0x6b: {  	_ =	shalt  }
0x6c: {  	_ =	shalt  }
0x6d: {  	_ =	shalt  }
0x6e: {  	_ =	shalt  }
0x6f: {  	_ =	shalt  }
0x70: {  	_ =	shalt  }
0x71: {  	_ =	shalt  }
0x72: {  	_ =	shalt  }
0x73: {  	_ =	shalt  }
0x74: {  	_ =	shalt  }
0x75: {  	_ =	shalt  }
0x76: {  	_ =	shalt  }
0x77: {  	_ =	shalt  }
0x78: {  	_ =	shalt  }
0x79: {  	_ =	shalt  }
0x7a: {  	_ =	shalt  }
0x7b: {  	_ =	shalt  }
0x7c: {  	_ =	shalt  }
0x7d: {  	_ =	shalt  }
0x7e: {  	_ =	shalt  }
0x7f: {  	_ =	shalt  }
0x80: {  	_ =	shalt  }
0x81: {  	_ =	shalt  }
0x82: {  	_ =	shalt  }
0x83: {  	_ =	shalt  }
0x84: {  	_ =	shalt  }
0x85: {  	_ =	shalt  }
0x86: {  	_ =	shalt  }
0x87: {  	_ =	shalt  }
.Lfunc_end0:
.L_simem_size_0:
called_computation.2_lowered:
.L_overlay_start_0:
0x88: {  	s2 =	sld [smem:$0x3FD9]  }
0x89: {  	s3 =	sld [smem:$0x3FFE];
	_ =	sdelay $0x1  }
0x8a: {  	s1 =	srdreg.scid  }
0x8b: {  	s0 =	sand.u32 $0x1, s1  }
0x8c: {  	s16 =	sshll.u32 s0, $0xA;
	s2 =	sadd.s32 s3, s2  }
0x8d: {  	s2 =	sadd.s32 s2, s16  }
0x8e: {  	[smem:$0x3FB9] =	sst s2  }
0x8f: {  	_ = 	snop  }
0x90: {  	(tm) =	ssettm $0x1  }
0x91: {  	s17 =	sld [smem:$0x3FFB];
	_ =	sdelay $0x3  }
0x92: {  	_ =	strace s17  }
0x93: {  	s2 =	sld [smem:$0x3FFC];
	_ =	sdelay $0x3  }
0x94: {  	_ =	strace s2  }
0x95: {  	s2 =	sld [smem:$0x3FFD];
	_ =	sdelay $0x3  }
0x96: {  	_ =	strace s2  }
0x97: {  	_ =	strace $0x8FFFFFFF  }
0x98: {  	s18 =	sld [smem:$0x3FDB];
	_ =	sdelay $0x1  }
0x99: {  	s19 =	simm.s32 $_scs_section_size  }
0x9a: {  	s4 =	simm.s32 $_size__tile_overlayer_lowered;
	s5 =	simm.s32 $_tile_overlayer_lowered  }
0x9b: {  	s22 =	simm.s32 $0x1BFF;
	s21 =	sshll.u32 s5, $0x1;
	s2 =	sadd.s32 s19, s18  }
0x9c: {  	s6 =	simm.s32 $0x0;
	s20 =	sshll.u32 s4, $0x1;
	s4 =	sadd.s32 s21, s2  }
0x9d: {  	[timem:s6], [sflag:s22] =	dma.local [hbm:s4], s20  }
0x9e: {  	_ =	swait.ge [sflag:s22], s20  }
0x9f: {  	s3 =	ssub.s32 $0x0, s20;
	[sflag:s22] =	ssyncset.done $0x0  }
0xa0: {  	[sflag:s22] =	ssyncadd.s32 s3;
	_ =	sdelay $0x1  }
0xa1: {  	s23 =	simm.s32 $0x1B8B  }
0xa2: {  	_ =	swait.ge [sflag:s23], $0x1  }
0xa3: {  	[sflag:s23] =	ssyncset.done $0x0  }
0xa4: {  	s25 =	simm.s32 $0x1B8E;
	s24 =	sld [smem:$0x3FFE];
	[sflag:s23] =	ssyncadd.s32 $0xFFFFFFFF  }
0xa5: {  	s26 =	simm.s32 $execute0_lowered;
	[smem:$0x3FD2] =	sst s25  }
0xa6: {  	s4 =	sshll.u32 s26, $0x1;
	_ =	strace $0x8000004C;
	[dreg:$0x1] =	wrdreg $0xFFFFFFFF  }
0xa7: {  	s28 =	simm.s32 $_size_execute0_lowered;
	s2 =	sadd.s32 s2, s4;
	[dreg:$0x0] =	wrdreg $0x0  }
0xa8: {  	s4 =	sshll.u32 s28, $0x1;
	[dreg:$0x2] =	wrdreg s2  }
0xa9: {  	[dreg:$0x3] =	wrdreg s4  }
0xaa: {  	[dreg:$0x4] =	wrdreg $0xC0  }
0xab: {  	_ =	task [dreg:s6], $0x5FFFF  }
0xac: {  	[dreg:$0x1] =	wrdreg $0xFFFFFFFF  }
0xad: {  	[dreg:$0x0] =	wrdreg $0x60  }
0xae: {  	[dreg:$0x2] =	wrdreg s24  }
0xaf: {  	[dreg:$0x3] =	wrdreg $0x90000  }
0xb0: {  	[dreg:$0x4] =	wrdreg $0x9  }
0xb1: {  	_ =	task.clear_ibuf [dreg:s6], $0x5FFFF;
	_ =	strace $0x9000004C  }
0xb2: {  	s29 =	simm.s32 $0x9;
	_ =	strace $0x8000004E  }
0xb3: {  	_ =	swait.ge [sflag:s29], $0x1  }
0xb4: {  	[sflag:s29] =	ssyncadd.s32 $0xFFFFFFFF  }
0xb5: {  	_ =	strace $0x9000004E  }
0xb6: {  	_ =	sfence  }
0xb7: {  	s30 =	sld [smem:$0x0];
	_ =	sdelay $0x2  }
0xb8: {  	s31 =	sshll.u32 s1, $0xD;
	s1 =	sshrl.u32 s1, $0x2  }
0xb9: {  	s3 =	sand.u32 $0x4000, s31;
	s1 =	sadd.s32 s1, s30  }
0xba: {  	s0 =	sor.u32 s3, s0;
	s1 =	sshll.u32 s1, $0x11  }
0xbb: {  	s0 =	sor.u32 s1, s0  }
0xbc: {  	s0 =	sadd.s32 $0x8F2B, s0  }
0xbd: {  	[sflag:s0] =	ssyncadd.remote.s32 $0x1  }
0xbe: {  	_ =	sfence.sel $0xFFFF  }
0xbf: {  	[dreg:$0x0] =	wrdreg $0xFFFFFFFF;
	(pc) =	sbr.abs _section_cstart, $3  }
0xc0: {  	[dreg:$0x1] =	wrdreg $0xFFFFFFFF  }
0xc1: {  	_ =	task.clear_ibuf [dreg:s6], $0x2FFFF;
	_ =	strace $0x9FFFFFFF  }
0xc2: {  	(tm) =	ssettm $0x7FFFFFFF  }
0xc3: {  	_ =	shalt  }
tec
execute0_lowered:
.L_overlay_start_1:
0x0: {  	(tag) =	ssettag $0x1  }
0x1: {  	s5 =	rddreg [dreg:$0x0];
	s1 =	srdreg.scid  }
0x2: {  	s0 =	stileid.u32;
	s2 =	rddreg [dreg:$0x1]  }
0x3: {  	s3 =	simm.s32 $0x0;
	s14 =	simm.s32 $0x80;
	s15 =	simm.s32 $0x5000  }
0x4: {  	s16 =	simm.s32 $0x1;
	s17 =	simm.s32 $0x8;
	s18 =	simm.s32 $0x100  }
0x5: {  	s19 =	simm.s32 $0x0;
	s6 =	sand.u32 $0x1, s1;
	s8 =	smul.u32 $0x27800, s0  }
0x6: {  	s4 =	sshll.u32 s0, $0x1;
	s1 =	rddreg [dreg:$0x2];
	s9 =	smul.u32 $0x2780, s0  }
0x7: {  	[smem:$0x7FF] =	sst s3;
	s26 =	smul.u32 $0x4F000, s0;
	s31 =	sshll.u32 s0, $0x6  }
0x8: {  	s4 =	sor.u32 s6, s4;
	_ =	strace $0x8000004D;
	s10 =	sshll.u32 s6, $0xA  }
0x9: {  	s6 =	ssub.s32 $0x2, s6;
	s7 =	smul.u32 $0x500, s4;
	s4 =	sadd.s32 $0x36000, s5  }
0xa: {  	s25 =	sor.u32 s10, s8;
	s29 =	sshrl.u32 s6, $0x1;
	s30 =	sshrl.u32 s26, $0x2  }
0xb: {  	s9 =	sadd.s32 s9, s5;
	s12 =	ssub.s32 s6, s29;
	s13 =	sadd.s32 s30, s2  }
0xc: {  	s6 =	sor.u32 $0x1C02, s31;
	s11 =	sadd.s32 s7, s5;
	s7 =	sshrl.u32 s25, $0x3  }
0xd: {  	s10 =	smax.u32 s12, $0x1;
	s12 =	simm.s32 $0x2;
	s28 =	sadd.s32 s7, s5  }
0xe: {  	s5 =	sadd.s32 $0xE800, s9;
	s7 =	sadd.s32 $0x85000, s11;
	s8 =	sadd.s32 $0x4800, s11  }
0xf: {  	s11 =	sshrl.u32 s13, $0x3;
	s13 =	simm.s32 $0x2800;
	s9 =	sadd.s32 $0x8F000, s28  }
.LBB2_1:
0x10: {  	[spmem:s11], [sflag:s6] =	dma.local [hbm:s5], $0x2780  }
0x11: {  	_ =	swait.ge [sflag:s12], $0x2780  }
0x12: {  	[sflag:s12] =	ssyncset.done $0x0  }
0x13: {  	[sflag:s12] =	ssyncadd.s32 $0xFFFFD880  }
0x14: {  	[tilespmem:s3], [sflag:$0x2] =	stream.linear.gather [hbm4b:s7+s3], $0x2780, $0x38;
	[tilespmem:$0x1CC00] =	vst v63  }
0x15: {  	_ =	swait.ge [sflag:s12], $0x2780  }
0x16: {  	[sflag:s12] =	ssyncset.done $0x0  }
0x17: {  	[sflag:s12] =	ssyncadd.s32 $0xFFFFD880  }
0x18: {  	[tilespmem:s13], [sflag:$0x2] =	stream.linear.gather [hbm4b:s8+s3], $0x2780, $0x38;
	[tilespmem:$0x1CC00] =	vst v63  }
0x19: {  	_ =	swait.ge [sflag:s12], $0x2780  }
0x1a: {  	[sflag:s12] =	ssyncset.done $0x0  }
0x1b: {  	[sflag:s12] =	ssyncadd.s32 $0xFFFFD880  }
0x1c: {  	s20 =	simm.s32 $0x0;
	[bflag:$0x0] =	sbarrier.arrive $0xFFFF  }
0x1d: {  	[tilespmem:s15], [sflag:$0x1] =	stream.indirect.gather [hbm4b:s4+s14], $0x80, s20, s14, $0xb8;
	[tilespmem:$0x1CC00] =	vst v63  }
0x1e: {  	_ =	swait.ge [sflag:s16], $0x4000  }
0x1f: {  	[sflag:s16] =	ssyncset.done $0x0  }
0x20: {  	s31 =	simm.s32 $0x2800;
	[sflag:s16] =	ssyncadd.s32 $0xFFFFC000  }
0x21: {  	[spmem:s2] =	stream.indirect.scatter.add.f32 [tilespmem:s15], [sflag:$0x2], $0x80, s31, s14, $0xb8;
	[tilespmem:$0x1CC00] =	vst v63  }
0x22: {  	_ =	swait.ge [sflag:s12], $0x4000  }
0x23: {  	s21 =	simm.s32 $0x400;
	s20 =	simm.s32 $0x200;
	[sflag:s12] =	ssyncset.done $0x0  }
.LBB2_2:
0x24: {  	s22 =	sshra.s32 s20, $0x2  }
0x25: {  	[sflag:s12] =	ssyncadd.s32 $0xFFFFC000;
	s20 =	smov.u32 s21;
	s23 =	sadd.s32 $0x200, s21  }
0x26: {  	[tilespmem:s15], [sflag:$0x1] =	stream.indirect.gather [hbm4b:s4+s14], $0x80, s22, s14, $0xb8;
	[tilespmem:$0x1CC00] =	vst v63  }
0x27: {  	p0 =	sne.s32 s21, $0x9C00;
	_ =	swait.ge [sflag:s16], $0x4000  }
.Ltmp0:
0x28: {  	[sflag:s16] =	ssyncset.done $0x0;
	(pc) =	sbr.rel @p0 .LBB2_2-.Ltmp0, $4  }
0x29: {  	s21 =	sadd.s32 $0x2800, s22;
	[sflag:s16] =	ssyncadd.s32 $0xFFFFC000  }
0x2a: {  	[spmem:s2] =	stream.indirect.scatter.add.f32 [tilespmem:s15], [sflag:$0x2], $0x80, s21, s14, $0xb8;
	[tilespmem:$0x1CC00] =	vst v63  }
0x2b: {  	_ =	swait.ge [sflag:s12], $0x4000  }
0x2c: {  	s21 =	smov.u32 s23;
	[sflag:s12] =	ssyncset.done $0x0  }
0x2d: {  	s20 =	sshra.s32 s20, $0x2;
	[sflag:s12] =	ssyncadd.s32 $0xFFFFC000  }
0x2e: {  	[tilespmem:s15], [sflag:$0x1] =	stream.indirect.gather [hbm4b:s4+s14], $0x80, s20, s14, $0xb8;
	[tilespmem:$0x1CC00] =	vst v63  }
0x2f: {  	_ =	swait.ge [sflag:s16], $0x4000  }
0x30: {  	[sflag:s16] =	ssyncset.done $0x0  }
0x31: {  	s20 =	sadd.s32 $0x2800, s20;
	[sflag:s16] =	ssyncadd.s32 $0xFFFFC000  }
0x32: {  	[spmem:s2] =	stream.indirect.scatter.add.f32 [tilespmem:s15], [sflag:$0x2], $0x80, s20, s14, $0xb8;
	[tilespmem:$0x1CC00] =	vst v63  }
0x33: {  	_ =	swait.ge [sflag:s12], $0x4000  }
0x34: {  	s19 =	sadd.s32 $0x1, s19;
	[sflag:s12] =	ssyncset.done $0x0  }
0x35: {  	p0 =	sne.s32 s19, s10;
	[sflag:s12] =	ssyncadd.s32 $0xFFFFC000  }
.Ltmp1:
0x36: {  	[bflag:$0x0] =	sbarrier.arrive $0xFFFF;
	(pc) =	sbr.rel @p0 .LBB2_1-.Ltmp1, $4  }
0x37: {  	[hbm:s9@s18], [sflag:s6] =	dma.strided [spmem:s11@s14], $0x2780, s17, $0x10   }
0x38: {  	_ =	swait.ge [sflag:s12], $0x2780  }
0x39: {  	[sflag:s12] =	ssyncset.done $0x0  }
0x3a: {  	[sflag:s12] =	ssyncadd.s32 $0xFFFFD880  }
0x3b: {  	_ =	sfence.sel $0x180000  }
0x3c: {  	[bflag:$0x0] =	sbarrier.arrive $0xFFFF  }
0x3d: {  	p0 =	sne.s32 s0, $0x0;
	_ =	strace $0x9000004D  }
0x3e: {  	s0 =	sadd.s32 @!p0 $0x100000, s1;
	[bflag:$0x2] =	sbarrier.arrive $0xFFFF  }
0x3f: {  	[sflag:s0] =	ssyncadd.tile.s32 @!p0 $0x1;
	_ =	shalt  }
.Lfunc_end2:
_tile_overlayer_lowered:
.L_overlay_start_2:
0x40: {  	(tag) =	ssettag $0x2  }
0x41: {  	s0 =	rddreg [dreg:$0x0];
	s2 =	stileid.u32  }
0x42: {  	s1 =	rddreg [dreg:$0x1];
	p0 =	sne.s32 s2, $0x0  }
0x43: {  	s3 =	rddreg [dreg:$0x2];
	[bflag:$0x3] =	sbarrier.arrive $0xFFFF;
	s2 =	simm.s32 @!p0 $0x1C02  }
0x44: {  	[timem:s3], [sflag:s2] =	dma.local @!p0 [hbm:s0], s1  }
0x45: {  	s0 =	simm.s32 @!p0 $0x2  }
0x46: {  	_ =	swait.ge @!p0 [sflag:s0], s1  }
0x47: {  	s1 =	ssub.s32 @!p0 $0x0, s1;
	[sflag:s0] =	ssyncset.done @!p0 $0x0  }
0x48: {  	[sflag:s0] =	ssyncadd.s32 @!p0 s1  }
0x49: {  	[bflag:$0x3] =	sbarrier.arrive $0xFFFF  }
0x4a: {  	_ =	shalt  }

// kernel: kernel.19.cloned.1.call-start
scs
__scs_entry_jumppad:
0x0: {  	(pc) =	sbr.rel $0x88, $3  }
0x1: {  	(tag) =	ssettag $0x0;
	lr =	simm.s32 $0x1  }
0x2: {  	[smem:$0x3F92] =	sst lr;
	_ =	strace $0xD0000000  }
0x3: {  	_ = 	snop  }
0x4: {  	_ = 	snop  }
0x5: {  	_ = 	snop  }
0x6: {  	_ = 	snop  }
0x7: {  	_ = 	snop  }
__scs_overlays_trampoline_lowered:
0x8: {  	[smem:$0x3FA1] =	sst s0  }
0x9: {  	[smem:$0x3FA2] =	sst s1  }
0xa: {  	[smem:$0x3FA3] =	sst s2  }
0xb: {  	[smem:$0x3FA4] =	sst s3  }
0xc: {  	[smem:$0x3FA5] =	sst s4  }
0xd: {  	[smem:$0x3FA6] =	sst s5  }
0xe: {  	[smem:$0x3FA7] =	sst s6  }
0xf: {  	[smem:$0x3FA8] =	sst s7  }
0x10: {  	[smem:$0x3FA9] =	sst s8  }
0x11: {  	[smem:$0x3FAA] =	sst s9;
	s0 =	simm.s32 @!p0 $0x0  }
0x12: {  	s1 =	sld [smem:$0x3F90];
	s0 =	simm.s32 @p0 $0x1  }
0x13: {  	[smem:$0x3FAB] =	sst s0;
	s0 =	simm.s32 @!p1 $0x0  }
0x14: {  	s2 =	sld [smem:$0x3F8F];
	s0 =	simm.s32 @p1 $0x1  }
0x15: {  	[smem:$0x3FAC] =	sst s0;
	s0 =	simm.s32 @!p2 $0x0  }
0x16: {  	s3 =	sld [smem:$0x3FDB];
	s0 =	simm.s32 @p2 $0x1  }
0x17: {  	s4 =	simm.s32 $0x1BF5;
	[smem:$0x3FAE] =	sst s0  }
0x18: {  	s0 =	sld [smem:$0x3F91];
	_ =	swait.ge [sflag:s4], $0x0  }
0x19: {  	s7 =	sld [smem:$0x3F92]  }
0x1a: {  	s8 =	sadd.s32 $0xFFFFE003, lr  }
0x1b: {  	s9 =	sadd.s32 $0xFFFFFEF7, lr;
	s5 =	simm.s32 $0xFFFFFFFF;
	p2 =	slt.u32 s8, $0xFFFFF086  }
0x1c: {  	p1 =	slt.u32 s9, $0xF7A;
	s5 =	simm.s32 @!p2 $0x0  }
0x1d: {  	s5 =	simm.s32 @p1 $0x1;
	p0 =	seq.s32 s7, s2  }
0x1e: {  	s7 =	smul.u32 @!p0 $0xF7A, s2;
	p2 =	seq.s32 @!p0 s5, $0x0  }
0x1f: {  	s9 =	smul.u32 $0xF7A, s1;
	s8 =	simm.s32 @!p0 $0x1BF5;
	p2 =	por !p2, p0  }
0x20: {  	[sflag:s8] =	ssyncset.s32 @!p0 $0xFFFFF086;
	s6 =	sadd.s32 @!p0 s3, s7;
	s7 =	simm.s32 @!p0 $0x108  }
0x21: {  	s3 =	sadd.s32 s3, s9;
	s6 =	sadd.s32 @!p0 $0x88, s6;
	s7 =	simm.s32 @p2 $0x1082  }
0x22: {  	[simem:s7], [sflag:s8] =	dma.local @!p0 [hbm:s6], $0xF7A  }
0x23: {  	s9 =	sor.u32 $0xD0000000, s2;
	s6 =	simm.s32 $0x108;
	_ =	swait.ge @!p0 [sflag:s8], $0x0  }
0x24: {  	s3 =	sadd.s32 $0x88, s3;
	s6 =	simm.s32 @!p1 $0x1082;
	[sflag:s4] =	ssyncset.s32 $0xFFFFF086  }
0x25: {  	[simem:s6], [sflag:s4] =	dma.local [hbm:s3], $0xF7A  }
0x26: {  	[smem:$0x3F92] =	sst s1;
	(tag) =	ssettag s2;
	_ =	strace s9  }
0x27: {  	s1 =	sld [smem:$0x3FA2]  }
0x28: {  	s2 =	sld [smem:$0x3FA3]  }
0x29: {  	s4 =	sld [smem:$0x3FA5]  }
0x2a: {  	p0 =	seq.s32 s5, $0x0;
	s5 =	sld [smem:$0x3FA6]  }
0x2b: {  	s6 =	sld [smem:$0x3FA7]  }
0x2c: {  	s7 =	sld [smem:$0x3FA8]  }
0x2d: {  	s3 =	simm.s32 $0x108;
	s8 =	sld [smem:$0x3FA9]  }
0x2e: {  	s3 =	simm.s32 @!p0 $0x1082;
	s9 =	sld [smem:$0x3FAA]  }
0x2f: {  	lr =	sadd.s32 s0, s3;
	s0 =	sld [smem:$0x3FA1]  }
0x30: {  	s3 =	sld [smem:$0x3FA4]  }
0x31: {  	[smem:$0x3FAD] =	sst s10  }
0x32: {  	s10 =	sld [smem:$0x3FAB];
	_ =	sdelay $0x3  }
0x33: {  	p0 =	seq.s32 s10, $0x1;
	s10 =	sld [smem:$0x3FAD];
	_ =	sdelay $0x3  }
0x34: {  	[smem:$0x3FAD] =	sst s10  }
0x35: {  	s10 =	sld [smem:$0x3FAC];
	_ =	sdelay $0x3  }
0x36: {  	p1 =	seq.s32 s10, $0x1;
	s10 =	sld [smem:$0x3FAD];
	_ =	sdelay $0x3  }
0x37: {  	[smem:$0x3FAD] =	sst s10  }
0x38: {  	s10 =	sld [smem:$0x3FAE]  }
0x39: {  	_ = 	snop;
	(pc) =	sbr.ind lr, $3  }
0x3a: {  	_ = 	snop  }
0x3b: {  	_ = 	snop  }
0x3c: {  	p2 =	seq.s32 s10, $0x1;
	s10 =	sld [smem:$0x3FAD]  }
0x3d: {  	_ =	shalt  }
0x3e: {  	_ =	shalt  }
0x3f: {  	_ =	shalt  }
0x40: {  	_ =	shalt  }
0x41: {  	_ =	shalt  }
0x42: {  	_ =	shalt  }
0x43: {  	_ =	shalt  }
0x44: {  	_ =	shalt  }
0x45: {  	_ =	shalt  }
0x46: {  	_ =	shalt  }
0x47: {  	_ =	shalt  }
0x48: {  	_ =	shalt  }
0x49: {  	_ =	shalt  }
0x4a: {  	_ =	shalt  }
0x4b: {  	_ =	shalt  }
0x4c: {  	_ =	shalt  }
0x4d: {  	_ =	shalt  }
0x4e: {  	_ =	shalt  }
0x4f: {  	_ =	shalt  }
0x50: {  	_ =	shalt  }
0x51: {  	_ =	shalt  }
0x52: {  	_ =	shalt  }
0x53: {  	_ =	shalt  }
0x54: {  	_ =	shalt  }
0x55: {  	_ =	shalt  }
0x56: {  	_ =	shalt  }
0x57: {  	_ =	shalt  }
0x58: {  	_ =	shalt  }
0x59: {  	_ =	shalt  }
0x5a: {  	_ =	shalt  }
0x5b: {  	_ =	shalt  }
0x5c: {  	_ =	shalt  }
0x5d: {  	_ =	shalt  }
0x5e: {  	_ =	shalt  }
0x5f: {  	_ =	shalt  }
0x60: {  	_ =	shalt  }
0x61: {  	_ =	shalt  }
0x62: {  	_ =	shalt  }
0x63: {  	_ =	shalt  }
0x64: {  	_ =	shalt  }
0x65: {  	_ =	shalt  }
0x66: {  	_ =	shalt  }
0x67: {  	_ =	shalt  }
0x68: {  	_ =	shalt  }
0x69: {  	_ =	shalt  }
0x6a: {  	_ =	shalt  }
0x6b: {  	_ =	shalt  }
0x6c: {  	_ =	shalt  }
0x6d: {  	_ =	shalt  }
0x6e: {  	_ =	shalt  }
0x6f: {  	_ =	shalt  }
0x70: {  	_ =	shalt  }
0x71: {  	_ =	shalt  }
0x72: {  	_ =	shalt  }
0x73: {  	_ =	shalt  }
0x74: {  	_ =	shalt  }
0x75: {  	_ =	shalt  }
0x76: {  	_ =	shalt  }
0x77: {  	_ =	shalt  }
0x78: {  	_ =	shalt  }
0x79: {  	_ =	shalt  }
0x7a: {  	_ =	shalt  }
0x7b: {  	_ =	shalt  }
0x7c: {  	_ =	shalt  }
0x7d: {  	_ =	shalt  }
0x7e: {  	_ =	shalt  }
0x7f: {  	_ =	shalt  }
0x80: {  	_ =	shalt  }
0x81: {  	_ =	shalt  }
0x82: {  	_ =	shalt  }
0x83: {  	_ =	shalt  }
0x84: {  	_ =	shalt  }
0x85: {  	_ =	shalt  }
0x86: {  	_ =	shalt  }
0x87: {  	_ =	shalt  }
.Lfunc_end0:
.L_simem_size_0:
called_computation.3_lowered:
.L_overlay_start_0:
0x88: {  	s2 =	sld [smem:$0x3FD9]  }
0x89: {  	s3 =	sld [smem:$0x3FFE];
	_ =	sdelay $0x1  }
0x8a: {  	s1 =	srdreg.scid  }
0x8b: {  	s0 =	sand.u32 $0x1, s1  }
0x8c: {  	s17 =	sshll.u32 s0, $0xA;
	s2 =	sadd.s32 s3, s2  }
0x8d: {  	s2 =	sadd.s32 s2, s17  }
0x8e: {  	[smem:$0x3FB9] =	sst s2  }
0x8f: {  	_ = 	snop  }
0x90: {  	s2 =	sld [smem:$0x3FD0];
	(tm) =	ssettm $0x1  }
0x91: {  	s18 =	sld [smem:$0x3FFB];
	_ =	sdelay $0x3  }
0x92: {  	_ =	strace s18  }
0x93: {  	s3 =	sld [smem:$0x3FFC];
	_ =	sdelay $0x3  }
0x94: {  	_ =	strace s3  }
0x95: {  	s3 =	sld [smem:$0x3FFD];
	_ =	sdelay $0x3  }
0x96: {  	_ =	strace s3  }
0x97: {  	_ =	strace $0x8FFFFFFF  }
0x98: {  	s19 =	sld [smem:$0x3FDB];
	_ =	sdelay $0x1  }
0x99: {  	s4 =	simm.s32 $_scs_section_size  }
0x9a: {  	s5 =	simm.s32 $_size__tile_overlayer_lowered;
	s6 =	simm.s32 $_tile_overlayer_lowered  }
0x9b: {  	s22 =	simm.s32 $0x1BFF;
	s21 =	sshll.u32 s6, $0x1;
	s3 =	sadd.s32 s4, s19  }
0x9c: {  	s7 =	simm.s32 $0x0;
	s20 =	sshll.u32 s5, $0x1;
	s5 =	sadd.s32 s21, s3  }
0x9d: {  	[timem:s7], [sflag:s22] =	dma.local [hbm:s5], s20  }
0x9e: {  	_ =	swait.ge [sflag:s22], s20  }
0x9f: {  	s4 =	ssub.s32 $0x0, s20;
	[sflag:s22] =	ssyncset.done $0x0  }
0xa0: {  	[sflag:s22] =	ssyncadd.s32 s4;
	_ =	sdelay $0x1  }
0xa1: {  	s23 =	simm.s32 $0x1B8B  }
0xa2: {  	_ =	swait.ge [sflag:s23], $0x1  }
0xa3: {  	[sflag:s23] =	ssyncset.done $0x0  }
0xa4: {  	s25 =	simm.s32 $0x1B8E;
	s24 =	sld [smem:$0x3FFE];
	[sflag:s23] =	ssyncadd.s32 $0xFFFFFFFF  }
0xa5: {  	s26 =	simm.s32 $execute0_lowered;
	[smem:$0x3FD2] =	sst s25  }
0xa6: {  	s5 =	sshll.u32 s26, $0x1;
	_ =	strace $0x8000004F;
	[dreg:$0x1] =	wrdreg $0xFFFFFFFF  }
0xa7: {  	s28 =	simm.s32 $_size_execute0_lowered;
	s3 =	sadd.s32 s3, s5;
	[dreg:$0x0] =	wrdreg $0x0  }
0xa8: {  	s5 =	sshll.u32 s28, $0x1;
	[dreg:$0x2] =	wrdreg s3  }
0xa9: {  	[dreg:$0x3] =	wrdreg s5  }
0xaa: {  	[dreg:$0x4] =	wrdreg $0xC0  }
0xab: {  	_ =	task [dreg:s7], $0x5FFFF  }
0xac: {  	[dreg:$0x1] =	wrdreg $0xFFFFFFFF  }
0xad: {  	[dreg:$0x0] =	wrdreg $0x60  }
0xae: {  	[dreg:$0x2] =	wrdreg s24  }
0xaf: {  	[dreg:$0x3] =	wrdreg s2  }
0xb0: {  	[dreg:$0x4] =	wrdreg $0x9  }
0xb1: {  	_ =	task.clear_ibuf [dreg:s7], $0x5FFFF;
	_ =	strace $0x9000004F  }
0xb2: {  	s29 =	simm.s32 $0x9;
	_ =	strace $0x80000051  }
0xb3: {  	_ =	swait.ge [sflag:s29], $0x1  }
0xb4: {  	[sflag:s29] =	ssyncadd.s32 $0xFFFFFFFF  }
0xb5: {  	_ =	strace $0x90000051  }
0xb6: {  	_ =	sfence  }
0xb7: {  	s30 =	sld [smem:$0x0];
	_ =	sdelay $0x2  }
0xb8: {  	s31 =	sshll.u32 s1, $0xD;
	s1 =	sshrl.u32 s1, $0x2  }
0xb9: {  	s3 =	sand.u32 $0x4000, s31;
	s1 =	sadd.s32 s1, s30  }
0xba: {  	s0 =	sor.u32 s3, s0;
	s1 =	sshll.u32 s1, $0x11  }
0xbb: {  	s0 =	sor.u32 s1, s0  }
0xbc: {  	s0 =	sadd.s32 $0x8F2B, s0  }
0xbd: {  	[sflag:s0] =	ssyncadd.remote.s32 $0x1  }
0xbe: {  	_ =	sfence.sel $0xFFFF  }
0xbf: {  	[dreg:$0x0] =	wrdreg $0xFFFFFFFF;
	(pc) =	sbr.abs _section_cstart, $3  }
0xc0: {  	[dreg:$0x1] =	wrdreg $0xFFFFFFFF  }
0xc1: {  	_ =	task.clear_ibuf [dreg:s7], $0x2FFFF;
	_ =	strace $0x9FFFFFFF  }
0xc2: {  	(tm) =	ssettm $0x7FFFFFFF  }
0xc3: {  	_ =	shalt  }
tec
execute0_lowered:
.L_overlay_start_1:
0x0: {  	(tag) =	ssettag $0x1  }
0x1: {  	s6 =	rddreg [dreg:$0x0]  }
0x2: {  	s8 =	rddreg [dreg:$0x1]  }
0x3: {  	s0 =	rddreg [dreg:$0x2];
	s3 =	srdreg.scid  }
0x4: {  	s1 =	stileid.u32;
	s2 =	simm.s32 $0x0;
	s14 =	simm.s32 $0x1080  }
0x5: {  	s15 =	simm.s32 $0x1880;
	s16 =	simm.s32 $0x1;
	s17 =	simm.s32 $0x20  }
0x6: {  	s18 =	simm.s32 $0x2080;
	s19 =	simm.s32 $0x3080;
	s7 =	sand.u32 $0x1, s3  }
0x7: {  	s30 =	sshll.u32 s1, $0x1;
	[smem:$0x7FF] =	sst s2;
	s3 =	sadd.s32 $0x8F000, s6  }
0x8: {  	s4 =	sadd.s32 $0x36000, s6;
	s5 =	sadd.s32 $0x5D200, s6;
	s9 =	sor.u32 s7, s30  }
0x9: {  	_ =	strace $0x80000050;
	s7 =	ssub.s32 $0x2, s7;
	s10 =	sshll.u32 s9, $0x4  }
0xa: {  	s11 =	sshll.u32 s9, $0xA;
	s9 =	sshll.u32 s9, $0x9;
	s31 =	sshrl.u32 s7, $0x1  }
0xb: {  	s10 =	sadd.s32 s10, s6;
	s11 =	sadd.s32 s11, s6;
	s12 =	sadd.s32 s9, s6  }
0xc: {  	v2 =	vlaneseq.u32;
	s13 =	ssub.s32 s7, s31;
	s8 =	sadd.s32 s8, s9;
	s6 =	sadd.s32 $0x84400, s10  }
0xd: {  	vm0 =	vmmov $0xffff;
	v1 =	vshrl.u32 v2, $0x3;
	s7 =	sadd.s32 $0x84600, s11;
	s9 =	sadd.s32 $0x4800, s12;
	s10 =	smax.u32 s13, $0x1  }
0xe: {  	v0 =	vand.u32 $0x7, v2;
	v2 =	vor.u32 $0x8, v2;
	v1 =	vmul.u32 $0x8, v1;
	s11 =	simm.s32 $0x2;
	s12 =	simm.s32 $0x80;
	s13 =	simm.s32 $0x880  }
.LBB2_1:
0xf: {  	[tilespmem:s2], [sflag:$0x2] =	stream.linear.gather [hbm4b:s6+s2], $0x80, $0x38;
	[tilespmem:$0x4080] =	vst v63  }
0x10: {  	_ =	swait.ge [sflag:s11], $0x80  }
0x11: {  	[sflag:s11] =	ssyncset.done $0x0  }
0x12: {  	[sflag:s11] =	ssyncadd.s32 $0xFFFFFF80  }
0x13: {  	v3 =	vld [tilespmem:$0x0];
	_ =	sdelay $0x4  }
0x14: {  	v4 =	vshll.u32 v3, $0x1  }
0x15: {  	v3 =	vand.u32 $0x7, v3;
	v4 =	vand.u32 $0xFFFFFFF0, v4  }
0x16: {  	v3 =	vor.u32 v3, v4  }
0x17: {  	v4 =	vperm.xlane v3, v0;
	_ =	sdelay $0x1  }
0x18: {  	v3 =	vperm.xlane v3, v2;
	v4 =	vadd.s32 v1, v4;
	_ =	sdelay $0x1  }
0x19: {  	v3 =	vadd.s32 v1, v3;
	_ =	sdelay $0x2  }
0x1a: {  	[tilespmem:s12], [sflag:$0x1] =	stream.indirect_vreg.gather [hbm4b:s3+s2], $0x80, v4, vm0, $0xb8;
	[tilespmem:$0x4080] =	vst v63  }
0x1b: {  	_ = 	snop  }
0x1c: {  	[tilespmem:s13], [sflag:$0x1] =	stream.indirect_vreg.gather [hbm4b:s3+s2], $0x80, v3, vm0, $0xb8;
	[tilespmem:$0x4080] =	vst v63  }
0x1d: {  	v3 =	vld [tilespmem:$0x10];
	_ =	sdelay $0x4  }
0x1e: {  	v63 =	vshll.u32 v3, $0x1  }
0x1f: {  	v3 =	vand.u32 $0x7, v3;
	v4 =	vand.u32 $0xFFFFFFF0, v63  }
0x20: {  	v3 =	vor.u32 v3, v4  }
0x21: {  	v4 =	vperm.xlane v3, v0;
	_ =	sdelay $0x1  }
0x22: {  	v3 =	vperm.xlane v3, v2;
	v4 =	vadd.s32 v1, v4;
	_ =	sdelay $0x1  }
0x23: {  	v3 =	vadd.s32 v1, v3;
	_ =	sdelay $0x2  }
0x24: {  	[tilespmem:s14], [sflag:$0x1] =	stream.indirect_vreg.gather [hbm4b:s3+s2], $0x80, v4, vm0, $0xb8;
	[tilespmem:$0x4080] =	vst v63  }
0x25: {  	_ = 	snop  }
0x26: {  	[tilespmem:s15], [sflag:$0x1] =	stream.indirect_vreg.gather [hbm4b:s3+s2], $0x80, v3, vm0, $0xb8;
	[tilespmem:$0x4080] =	vst v63  }
0x27: {  	_ =	swait.ge [sflag:s16], $0x2000  }
0x28: {  	[sflag:s16] =	ssyncset.done $0x0  }
0x29: {  	[sflag:s16] =	ssyncadd.s32 $0xFFFFE000  }
0x2a: {  	[tilespmem:s18], [sflag:$0x1] =	stream.indirect.gather [hbm4b:s4+s17], $0x80, s2, s17, $0xb8;
	[tilespmem:$0x4080] =	vst v63  }
0x2b: {  	_ =	swait.ge [sflag:s16], $0x1000  }
0x2c: {  	[sflag:s16] =	ssyncset.done $0x0  }
0x2d: {  	[sflag:s16] =	ssyncadd.s32 $0xFFFFF000  }
0x2e: {  	[tilespmem:s19], [sflag:$0x1] =	stream.indirect.gather [hbm4b:s5+s17], $0x80, s2, s17, $0xb8;
	[tilespmem:$0x4080] =	vst v63  }
0x2f: {  	_ =	swait.ge [sflag:s16], $0x1000  }
0x30: {  	[sflag:s16] =	ssyncset.done $0x0  }
0x31: {  	[sflag:s16] =	ssyncadd.s32 $0xFFFFF000  }
0x32: {  	[hbm4b:s7+s2] =	stream.linear.scatter [tilespmem:s12], [sflag:$0x2], $0x2000, $0x38;
	[tilespmem:$0x4080] =	vst v63  }
0x33: {  	_ =	swait.ge [sflag:s11], $0x2000  }
0x34: {  	[sflag:s11] =	ssyncset.done $0x0  }
0x35: {  	[sflag:s11] =	ssyncadd.s32 $0xFFFFE000  }
0x36: {  	[hbm4b:s8+s2] =	stream.linear.scatter [tilespmem:s18], [sflag:$0x2], $0x1000, $0x38;
	[tilespmem:$0x4080] =	vst v63  }
0x37: {  	_ =	swait.ge [sflag:s11], $0x1000  }
0x38: {  	p0 =	sne.s32 s10, $0x1;
	[sflag:s11] =	ssyncset.done $0x0  }
.Ltmp0:
0x39: {  	[sflag:s11] =	ssyncadd.s32 $0xFFFFF000;
	(pc) =	sbr.rel @p0 .LBB2_1-.Ltmp0, $4  }
0x3a: {  	[hbm4b:s9+s2] =	stream.linear.scatter [tilespmem:s19], [sflag:$0x2], $0x1000, $0x38;
	[tilespmem:$0x4080] =	vst v63  }
0x3b: {  	_ =	swait.ge [sflag:s11], $0x1000  }
0x3c: {  	[sflag:s11] =	ssyncset.done $0x0  }
0x3d: {  	s10 =	sadd.s32 $0xFFFFFFFF, s10;
	[sflag:s11] =	ssyncadd.s32 $0xFFFFF000  }
0x3e: {  	_ =	sfence.sel $0x180000  }
0x3f: {  	[bflag:$0x0] =	sbarrier.arrive $0xFFFF  }
0x40: {  	p0 =	sne.s32 s1, $0x0;
	_ =	strace $0x90000050  }
0x41: {  	s0 =	sadd.s32 @!p0 $0x100000, s0;
	[bflag:$0x2] =	sbarrier.arrive $0xFFFF  }
0x42: {  	[sflag:s0] =	ssyncadd.tile.s32 @!p0 $0x1;
	_ =	shalt  }
.Lfunc_end2:
_tile_overlayer_lowered:
.L_overlay_start_2:
0x43: {  	(tag) =	ssettag $0x2  }
0x44: {  	s0 =	rddreg [dreg:$0x0];
	s2 =	stileid.u32  }
0x45: {  	s1 =	rddreg [dreg:$0x1];
	p0 =	sne.s32 s2, $0x0  }
0x46: {  	s3 =	rddreg [dreg:$0x2];
	[bflag:$0x3] =	sbarrier.arrive $0xFFFF;
	s2 =	simm.s32 @!p0 $0x1C02  }
0x47: {  	[timem:s3], [sflag:s2] =	dma.local @!p0 [hbm:s0], s1  }
0x48: {  	s0 =	simm.s32 @!p0 $0x2  }
0x49: {  	_ =	swait.ge @!p0 [sflag:s0], s1  }
0x4a: {  	s1 =	ssub.s32 @!p0 $0x0, s1;
	[sflag:s0] =	ssyncset.done @!p0 $0x0  }
0x4b: {  	[sflag:s0] =	ssyncadd.s32 @!p0 s1  }
0x4c: {  	[bflag:$0x3] =	sbarrier.arrive $0xFFFF  }
0x4d: {  	_ =	shalt  }

</sc_bundles>
